<compile_context>
chip_gen: v7x
topology: tpu7x:2x2x1
jax: 0.10.2.dev20260603
libtpu: 0.0.44.dev20260713+nightly
codegen_flags: <defaults>
</compile_context>

<pallas_src>
import functools

import jax
import jax.numpy as jnp
from jax import lax
from jax.experimental import pallas as pl
from jax.experimental.pallas import tpu as pltpu
from jax.experimental.pallas import tpu_sc as plsc

_NUM_CORES = 2
_NUM_SUBCORES = 16
_NUM_WORKERS = _NUM_CORES * _NUM_SUBCORES
_CHUNK = 64


@functools.lru_cache(maxsize=None)
def _make_lookup(vocab, dim, batch):
    assert batch % (_NUM_WORKERS * _CHUNK) == 0
    nchunks = batch // (_NUM_WORKERS * _CHUNK)
    mesh = plsc.VectorSubcoreMesh(core_axis_name="c", subcore_axis_name="s")

    @functools.partial(
        pl.kernel,
        mesh=mesh,
        out_type=jax.ShapeDtypeStruct((_NUM_WORKERS, nchunks, _CHUNK, dim),
                                      jnp.float32),
        scratch_types=[
            pltpu.VMEM((nchunks, _CHUNK), jnp.int32),
            pltpu.VMEM((nchunks, _CHUNK, dim), jnp.float32),
            pltpu.VMEM_SHARED((vocab, dim), jnp.float32),
        ] + [pltpu.SemaphoreType.DMA] * (nchunks + 1),
    )
    def lookup(table_hbm, idx_hbm, out_hbm, idx_v, rows_v, table_sp, *sems):
        gsems, wsem = sems[:nchunks], sems[nchunks]
        sid = lax.axis_index("s")
        wid = sid * _NUM_CORES + lax.axis_index("c")
        for k in range((vocab + 127) // 128):
            off = k * 128
            sz = min(128, vocab - off)
            @pl.when(sid == k)
            def _stage_table(off=off, sz=sz):
                pltpu.sync_copy(table_hbm.at[pl.ds(off, sz)],
                                table_sp.at[pl.ds(off, sz)])
        pltpu.sync_copy(idx_hbm.at[wid], idx_v)
        plsc.subcore_barrier()
        gathers = [
            pltpu.async_copy(table_sp.at[idx_v.at[j]], rows_v.at[j], gsems[j])
            for j in range(nchunks)
        ]
        writes = []
        for j in range(nchunks):
            gathers[j].wait()
            writes.append(
                pltpu.async_copy(rows_v.at[j], out_hbm.at[wid, j], wsem))
        for w in writes:
            w.wait()

    return lookup


def kernel(level, table):
    (batch,) = level.shape
    vocab, dim = table.shape
    nchunks = batch // (_NUM_WORKERS * _CHUNK)
    idx = level.astype(jnp.int32).reshape(_NUM_WORKERS, nchunks, _CHUNK)
    out = _make_lookup(vocab, dim, batch)(table, idx)
    return out.reshape(batch, dim)

# --- scband reference (transcript-rebuilt; emitter-appended) ---
"""Pipeline reference for scband-resolution-embedding-23012434772651 (READ-ONLY COPY).

The authoritative reference and input builder live on the scoring server;
editing this copy changes nothing except your own understanding.
"""

import jax, jax.numpy as jnp
import numpy as np

NUM_LEVELS = 1000
DIM = 128
BATCH = 16384

def setup_inputs(seed: int = 0) -> dict:
    key = jax.random.key(seed)
    k1, k2 = jax.random.split(key)
    level = jax.random.randint(k1, (BATCH,), 0, NUM_LEVELS, dtype=jnp.int64 if jax.config.jax_enable_x64 else jnp.int32)
    # nn.Embedding default init: N(0, 1)
    table = jax.random.normal(k2, (NUM_LEVELS, DIM), dtype=jnp.float32)
    return {"level": level, "table": table}

def reference(level, table):
    # Faithful translation of nn.Embedding lookup: out[b] = table[level[b]]
    return jnp.take(table, level, axis=0)

if __name__ == "__main__":
    import jax
    _d = setup_inputs()
    print(jax.jit(kernel)(*tuple(_d.values())))

</pallas_src>

<mosaic_0001>
#map = affine_map<(d0, d1) -> (0, 0)>
#map1 = affine_map<(d0, d1) -> (0, 0, 0)>
#map2 = affine_map<(d0, d1) -> (0, 0, 0, 0)>
module attributes {stable_mosaic.version = 14 : i64} {
  func.func @lookup(%arg0: i32, %arg1: i32, %arg2: memref<1000x128xf32, #tpu.memory_space<hbm>>, %arg3: memref<32x8x64xi32, #tpu.memory_space<hbm>>, %arg4: memref<32x8x64x128xf32, #tpu.memory_space<hbm>>, %arg5: memref<8x64xi32, #tpu.memory_space<vmem>>, %arg6: memref<8x64x128xf32, #tpu.memory_space<vmem>>, %arg7: memref<1000x128xf32, #tpu.memory_space<vmem_shared>>, %arg8: memref<!tpu.dma_semaphore, #tpu.memory_space<semaphore_mem>>, %arg9: memref<!tpu.dma_semaphore, #tpu.memory_space<semaphore_mem>>, %arg10: memref<!tpu.dma_semaphore, #tpu.memory_space<semaphore_mem>>, %arg11: memref<!tpu.dma_semaphore, #tpu.memory_space<semaphore_mem>>, %arg12: memref<!tpu.dma_semaphore, #tpu.memory_space<semaphore_mem>>, %arg13: memref<!tpu.dma_semaphore, #tpu.memory_space<semaphore_mem>>, %arg14: memref<!tpu.dma_semaphore, #tpu.memory_space<semaphore_mem>>, %arg15: memref<!tpu.dma_semaphore, #tpu.memory_space<semaphore_mem>>, %arg16: memref<!tpu.dma_semaphore, #tpu.memory_space<semaphore_mem>>) attributes {dimension_semantics = [#tpu.dimension_semantics<core_parallel>, #tpu.dimension_semantics<subcore_parallel>], iteration_bounds = array<i64: 2, 16>, scalar_prefetch = 0 : i64, scratch_operands = 12 : i64, tpu.core_type = #tpu.core_type<sc_vector_subcore>, window_params = [{transform_indices = #map}, {transform_indices = #map1}, {transform_indices = #map2}]} {
    %mul3A = arith.constant 2 : i32
    %mul3A_0 = arith.muli %arg1, %mul3A : i32
    %add3A = arith.addi %mul3A_0, %arg0 : i32
    %eq3A = arith.constant 0 : i32
    %eq3A_1 = arith.cmpi eq, %arg1, %eq3A : i32
    %convert_element_type3A = arith.extui %eq3A_1 : i1 to i32
    %cond3A = arith.constant 0 : i32
    %cond3A_2 = arith.cmpi ne, %convert_element_type3A, %cond3A : i32
    scf.if %cond3A_2 {
      "tpu.region"() ({
        %run_scoped3A = tpu.sem_alloc : memref<!tpu.dma_semaphore, #tpu.memory_space<semaphore_mem>>
        %dma_start3A_516 = arith.constant 0 : i32
        %dma_start3A_517 = arith.constant 0 : i32
        %dma_start3A_518 = tpu.memref_slice %arg7[%dma_start3A_516, %dma_start3A_517] : memref<1000x128xf32, #tpu.memory_space<vmem_shared>> -> memref<128x128xf32, #tpu.memory_space<vmem_shared>>
        %dma_start3A_519 = arith.constant 0 : i32
        %dma_start3A_520 = arith.constant 0 : i32
        %dma_start3A_521 = tpu.memref_slice %arg2[%dma_start3A_519, %dma_start3A_520] : memref<1000x128xf32, #tpu.memory_space<hbm>> -> memref<128x128xf32, #tpu.memory_space<hbm>>
        tpu.enqueue_dma source(%dma_start3A_521 : memref<128x128xf32, #tpu.memory_space<hbm>>) target(%dma_start3A_518 : memref<128x128xf32, #tpu.memory_space<vmem_shared>>) target_semaphore(%run_scoped3A : memref<!tpu.dma_semaphore, #tpu.memory_space<semaphore_mem>>)
        %dma_wait3A_522 = arith.constant 0 : i32
        %dma_wait3A_523 = arith.constant 0 : i32
        %dma_wait3A_524 = tpu.memref_slice %arg7[%dma_wait3A_522, %dma_wait3A_523] : memref<1000x128xf32, #tpu.memory_space<vmem_shared>> -> memref<128x128xf32, #tpu.memory_space<vmem_shared>>
        %dma_wait3A_525 = arith.constant 0 : i32
        %dma_wait3A_526 = arith.constant 0 : i32
        %dma_wait3A_527 = tpu.memref_slice %arg2[%dma_wait3A_525, %dma_wait3A_526] : memref<1000x128xf32, #tpu.memory_space<hbm>> -> memref<128x128xf32, #tpu.memory_space<hbm>>
        tpu.wait_dma2 semaphore(%run_scoped3A : memref<!tpu.dma_semaphore, #tpu.memory_space<semaphore_mem>>) src(%dma_wait3A_527 : memref<128x128xf32, #tpu.memory_space<hbm>>) dst(%dma_wait3A_524 : memref<128x128xf32, #tpu.memory_space<vmem_shared>>)
        tpu.yield
      }) : () -> ()
    } else {
    }
    %eq3A_3 = arith.constant 1 : i32
    %eq3A_4 = arith.cmpi eq, %arg1, %eq3A_3 : i32
    %convert_element_type3A_5 = arith.extui %eq3A_4 : i1 to i32
    %cond3A_6 = arith.constant 0 : i32
    %cond3A_7 = arith.cmpi ne, %convert_element_type3A_5, %cond3A_6 : i32
    scf.if %cond3A_7 {
      "tpu.region"() ({
        %run_scoped3A = tpu.sem_alloc : memref<!tpu.dma_semaphore, #tpu.memory_space<semaphore_mem>>
        %dma_start3A_516 = arith.constant 128 : i32
        %dma_start3A_517 = arith.constant 0 : i32
        %dma_start3A_518 = tpu.memref_slice %arg7[%dma_start3A_516, %dma_start3A_517] : memref<1000x128xf32, #tpu.memory_space<vmem_shared>> -> memref<128x128xf32, #tpu.memory_space<vmem_shared>>
        %dma_start3A_519 = arith.constant 128 : i32
        %dma_start3A_520 = arith.constant 0 : i32
        %dma_start3A_521 = tpu.memref_slice %arg2[%dma_start3A_519, %dma_start3A_520] : memref<1000x128xf32, #tpu.memory_space<hbm>> -> memref<128x128xf32, #tpu.memory_space<hbm>>
        tpu.enqueue_dma source(%dma_start3A_521 : memref<128x128xf32, #tpu.memory_space<hbm>>) target(%dma_start3A_518 : memref<128x128xf32, #tpu.memory_space<vmem_shared>>) target_semaphore(%run_scoped3A : memref<!tpu.dma_semaphore, #tpu.memory_space<semaphore_mem>>)
        %dma_wait3A_522 = arith.constant 128 : i32
        %dma_wait3A_523 = arith.constant 0 : i32
        %dma_wait3A_524 = tpu.memref_slice %arg7[%dma_wait3A_522, %dma_wait3A_523] : memref<1000x128xf32, #tpu.memory_space<vmem_shared>> -> memref<128x128xf32, #tpu.memory_space<vmem_shared>>
        %dma_wait3A_525 = arith.constant 128 : i32
        %dma_wait3A_526 = arith.constant 0 : i32
        %dma_wait3A_527 = tpu.memref_slice %arg2[%dma_wait3A_525, %dma_wait3A_526] : memref<1000x128xf32, #tpu.memory_space<hbm>> -> memref<128x128xf32, #tpu.memory_space<hbm>>
        tpu.wait_dma2 semaphore(%run_scoped3A : memref<!tpu.dma_semaphore, #tpu.memory_space<semaphore_mem>>) src(%dma_wait3A_527 : memref<128x128xf32, #tpu.memory_space<hbm>>) dst(%dma_wait3A_524 : memref<128x128xf32, #tpu.memory_space<vmem_shared>>)
        tpu.yield
      }) : () -> ()
    } else {
    }
    %eq3A_8 = arith.constant 2 : i32
    %eq3A_9 = arith.cmpi eq, %arg1, %eq3A_8 : i32
    %convert_element_type3A_10 = arith.extui %eq3A_9 : i1 to i32
    %cond3A_11 = arith.constant 0 : i32
    %cond3A_12 = arith.cmpi ne, %convert_element_type3A_10, %cond3A_11 : i32
    scf.if %cond3A_12 {
      "tpu.region"() ({
        %run_scoped3A = tpu.sem_alloc : memref<!tpu.dma_semaphore, #tpu.memory_space<semaphore_mem>>
        %dma_start3A_516 = arith.constant 256 : i32
        %dma_start3A_517 = arith.constant 0 : i32
        %dma_start3A_518 = tpu.memref_slice %arg7[%dma_start3A_516, %dma_start3A_517] : memref<1000x128xf32, #tpu.memory_space<vmem_shared>> -> memref<128x128xf32, #tpu.memory_space<vmem_shared>>
        %dma_start3A_519 = arith.constant 256 : i32
        %dma_start3A_520 = arith.constant 0 : i32
        %dma_start3A_521 = tpu.memref_slice %arg2[%dma_start3A_519, %dma_start3A_520] : memref<1000x128xf32, #tpu.memory_space<hbm>> -> memref<128x128xf32, #tpu.memory_space<hbm>>
        tpu.enqueue_dma source(%dma_start3A_521 : memref<128x128xf32, #tpu.memory_space<hbm>>) target(%dma_start3A_518 : memref<128x128xf32, #tpu.memory_space<vmem_shared>>) target_semaphore(%run_scoped3A : memref<!tpu.dma_semaphore, #tpu.memory_space<semaphore_mem>>)
        %dma_wait3A_522 = arith.constant 256 : i32
        %dma_wait3A_523 = arith.constant 0 : i32
        %dma_wait3A_524 = tpu.memref_slice %arg7[%dma_wait3A_522, %dma_wait3A_523] : memref<1000x128xf32, #tpu.memory_space<vmem_shared>> -> memref<128x128xf32, #tpu.memory_space<vmem_shared>>
        %dma_wait3A_525 = arith.constant 256 : i32
        %dma_wait3A_526 = arith.constant 0 : i32
        %dma_wait3A_527 = tpu.memref_slice %arg2[%dma_wait3A_525, %dma_wait3A_526] : memref<1000x128xf32, #tpu.memory_space<hbm>> -> memref<128x128xf32, #tpu.memory_space<hbm>>
        tpu.wait_dma2 semaphore(%run_scoped3A : memref<!tpu.dma_semaphore, #tpu.memory_space<semaphore_mem>>) src(%dma_wait3A_527 : memref<128x128xf32, #tpu.memory_space<hbm>>) dst(%dma_wait3A_524 : memref<128x128xf32, #tpu.memory_space<vmem_shared>>)
        tpu.yield
      }) : () -> ()
    } else {
    }
    %eq3A_13 = arith.constant 3 : i32
    %eq3A_14 = arith.cmpi eq, %arg1, %eq3A_13 : i32
    %convert_element_type3A_15 = arith.extui %eq3A_14 : i1 to i32
    %cond3A_16 = arith.constant 0 : i32
    %cond3A_17 = arith.cmpi ne, %convert_element_type3A_15, %cond3A_16 : i32
    scf.if %cond3A_17 {
      "tpu.region"() ({
        %run_scoped3A = tpu.sem_alloc : memref<!tpu.dma_semaphore, #tpu.memory_space<semaphore_mem>>
        %dma_start3A_516 = arith.constant 384 : i32
        %dma_start3A_517 = arith.constant 0 : i32
        %dma_start3A_518 = tpu.memref_slice %arg7[%dma_start3A_516, %dma_start3A_517] : memref<1000x128xf32, #tpu.memory_space<vmem_shared>> -> memref<128x128xf32, #tpu.memory_space<vmem_shared>>
        %dma_start3A_519 = arith.constant 384 : i32
        %dma_start3A_520 = arith.constant 0 : i32
        %dma_start3A_521 = tpu.memref_slice %arg2[%dma_start3A_519, %dma_start3A_520] : memref<1000x128xf32, #tpu.memory_space<hbm>> -> memref<128x128xf32, #tpu.memory_space<hbm>>
        tpu.enqueue_dma source(%dma_start3A_521 : memref<128x128xf32, #tpu.memory_space<hbm>>) target(%dma_start3A_518 : memref<128x128xf32, #tpu.memory_space<vmem_shared>>) target_semaphore(%run_scoped3A : memref<!tpu.dma_semaphore, #tpu.memory_space<semaphore_mem>>)
        %dma_wait3A_522 = arith.constant 384 : i32
        %dma_wait3A_523 = arith.constant 0 : i32
        %dma_wait3A_524 = tpu.memref_slice %arg7[%dma_wait3A_522, %dma_wait3A_523] : memref<1000x128xf32, #tpu.memory_space<vmem_shared>> -> memref<128x128xf32, #tpu.memory_space<vmem_shared>>
        %dma_wait3A_525 = arith.constant 384 : i32
        %dma_wait3A_526 = arith.constant 0 : i32
        %dma_wait3A_527 = tpu.memref_slice %arg2[%dma_wait3A_525, %dma_wait3A_526] : memref<1000x128xf32, #tpu.memory_space<hbm>> -> memref<128x128xf32, #tpu.memory_space<hbm>>
        tpu.wait_dma2 semaphore(%run_scoped3A : memref<!tpu.dma_semaphore, #tpu.memory_space<semaphore_mem>>) src(%dma_wait3A_527 : memref<128x128xf32, #tpu.memory_space<hbm>>) dst(%dma_wait3A_524 : memref<128x128xf32, #tpu.memory_space<vmem_shared>>)
        tpu.yield
      }) : () -> ()
    } else {
    }
    %eq3A_18 = arith.constant 4 : i32
    %eq3A_19 = arith.cmpi eq, %arg1, %eq3A_18 : i32
    %convert_element_type3A_20 = arith.extui %eq3A_19 : i1 to i32
    %cond3A_21 = arith.constant 0 : i32
    %cond3A_22 = arith.cmpi ne, %convert_element_type3A_20, %cond3A_21 : i32
    scf.if %cond3A_22 {
      "tpu.region"() ({
        %run_scoped3A = tpu.sem_alloc : memref<!tpu.dma_semaphore, #tpu.memory_space<semaphore_mem>>
        %dma_start3A_516 = arith.constant 512 : i32
        %dma_start3A_517 = arith.constant 0 : i32
        %dma_start3A_518 = tpu.memref_slice %arg7[%dma_start3A_516, %dma_start3A_517] : memref<1000x128xf32, #tpu.memory_space<vmem_shared>> -> memref<128x128xf32, #tpu.memory_space<vmem_shared>>
        %dma_start3A_519 = arith.constant 512 : i32
        %dma_start3A_520 = arith.constant 0 : i32
        %dma_start3A_521 = tpu.memref_slice %arg2[%dma_start3A_519, %dma_start3A_520] : memref<1000x128xf32, #tpu.memory_space<hbm>> -> memref<128x128xf32, #tpu.memory_space<hbm>>
        tpu.enqueue_dma source(%dma_start3A_521 : memref<128x128xf32, #tpu.memory_space<hbm>>) target(%dma_start3A_518 : memref<128x128xf32, #tpu.memory_space<vmem_shared>>) target_semaphore(%run_scoped3A : memref<!tpu.dma_semaphore, #tpu.memory_space<semaphore_mem>>)
        %dma_wait3A_522 = arith.constant 512 : i32
        %dma_wait3A_523 = arith.constant 0 : i32
        %dma_wait3A_524 = tpu.memref_slice %arg7[%dma_wait3A_522, %dma_wait3A_523] : memref<1000x128xf32, #tpu.memory_space<vmem_shared>> -> memref<128x128xf32, #tpu.memory_space<vmem_shared>>
        %dma_wait3A_525 = arith.constant 512 : i32
        %dma_wait3A_526 = arith.constant 0 : i32
        %dma_wait3A_527 = tpu.memref_slice %arg2[%dma_wait3A_525, %dma_wait3A_526] : memref<1000x128xf32, #tpu.memory_space<hbm>> -> memref<128x128xf32, #tpu.memory_space<hbm>>
        tpu.wait_dma2 semaphore(%run_scoped3A : memref<!tpu.dma_semaphore, #tpu.memory_space<semaphore_mem>>) src(%dma_wait3A_527 : memref<128x128xf32, #tpu.memory_space<hbm>>) dst(%dma_wait3A_524 : memref<128x128xf32, #tpu.memory_space<vmem_shared>>)
        tpu.yield
      }) : () -> ()
    } else {
    }
    %eq3A_23 = arith.constant 5 : i32
    %eq3A_24 = arith.cmpi eq, %arg1, %eq3A_23 : i32
    %convert_element_type3A_25 = arith.extui %eq3A_24 : i1 to i32
    %cond3A_26 = arith.constant 0 : i32
    %cond3A_27 = arith.cmpi ne, %convert_element_type3A_25, %cond3A_26 : i32
    scf.if %cond3A_27 {
      "tpu.region"() ({
        %run_scoped3A = tpu.sem_alloc : memref<!tpu.dma_semaphore, #tpu.memory_space<semaphore_mem>>
        %dma_start3A_516 = arith.constant 640 : i32
        %dma_start3A_517 = arith.constant 0 : i32
        %dma_start3A_518 = tpu.memref_slice %arg7[%dma_start3A_516, %dma_start3A_517] : memref<1000x128xf32, #tpu.memory_space<vmem_shared>> -> memref<128x128xf32, #tpu.memory_space<vmem_shared>>
        %dma_start3A_519 = arith.constant 640 : i32
        %dma_start3A_520 = arith.constant 0 : i32
        %dma_start3A_521 = tpu.memref_slice %arg2[%dma_start3A_519, %dma_start3A_520] : memref<1000x128xf32, #tpu.memory_space<hbm>> -> memref<128x128xf32, #tpu.memory_space<hbm>>
        tpu.enqueue_dma source(%dma_start3A_521 : memref<128x128xf32, #tpu.memory_space<hbm>>) target(%dma_start3A_518 : memref<128x128xf32, #tpu.memory_space<vmem_shared>>) target_semaphore(%run_scoped3A : memref<!tpu.dma_semaphore, #tpu.memory_space<semaphore_mem>>)
        %dma_wait3A_522 = arith.constant 640 : i32
        %dma_wait3A_523 = arith.constant 0 : i32
        %dma_wait3A_524 = tpu.memref_slice %arg7[%dma_wait3A_522, %dma_wait3A_523] : memref<1000x128xf32, #tpu.memory_space<vmem_shared>> -> memref<128x128xf32, #tpu.memory_space<vmem_shared>>
        %dma_wait3A_525 = arith.constant 640 : i32
        %dma_wait3A_526 = arith.constant 0 : i32
        %dma_wait3A_527 = tpu.memref_slice %arg2[%dma_wait3A_525, %dma_wait3A_526] : memref<1000x128xf32, #tpu.memory_space<hbm>> -> memref<128x128xf32, #tpu.memory_space<hbm>>
        tpu.wait_dma2 semaphore(%run_scoped3A : memref<!tpu.dma_semaphore, #tpu.memory_space<semaphore_mem>>) src(%dma_wait3A_527 : memref<128x128xf32, #tpu.memory_space<hbm>>) dst(%dma_wait3A_524 : memref<128x128xf32, #tpu.memory_space<vmem_shared>>)
        tpu.yield
      }) : () -> ()
    } else {
    }
    %eq3A_28 = arith.constant 6 : i32
    %eq3A_29 = arith.cmpi eq, %arg1, %eq3A_28 : i32
    %convert_element_type3A_30 = arith.extui %eq3A_29 : i1 to i32
    %cond3A_31 = arith.constant 0 : i32
    %cond3A_32 = arith.cmpi ne, %convert_element_type3A_30, %cond3A_31 : i32
    scf.if %cond3A_32 {
      "tpu.region"() ({
        %run_scoped3A = tpu.sem_alloc : memref<!tpu.dma_semaphore, #tpu.memory_space<semaphore_mem>>
        %dma_start3A_516 = arith.constant 768 : i32
        %dma_start3A_517 = arith.constant 0 : i32
        %dma_start3A_518 = tpu.memref_slice %arg7[%dma_start3A_516, %dma_start3A_517] : memref<1000x128xf32, #tpu.memory_space<vmem_shared>> -> memref<128x128xf32, #tpu.memory_space<vmem_shared>>
        %dma_start3A_519 = arith.constant 768 : i32
        %dma_start3A_520 = arith.constant 0 : i32
        %dma_start3A_521 = tpu.memref_slice %arg2[%dma_start3A_519, %dma_start3A_520] : memref<1000x128xf32, #tpu.memory_space<hbm>> -> memref<128x128xf32, #tpu.memory_space<hbm>>
        tpu.enqueue_dma source(%dma_start3A_521 : memref<128x128xf32, #tpu.memory_space<hbm>>) target(%dma_start3A_518 : memref<128x128xf32, #tpu.memory_space<vmem_shared>>) target_semaphore(%run_scoped3A : memref<!tpu.dma_semaphore, #tpu.memory_space<semaphore_mem>>)
        %dma_wait3A_522 = arith.constant 768 : i32
        %dma_wait3A_523 = arith.constant 0 : i32
        %dma_wait3A_524 = tpu.memref_slice %arg7[%dma_wait3A_522, %dma_wait3A_523] : memref<1000x128xf32, #tpu.memory_space<vmem_shared>> -> memref<128x128xf32, #tpu.memory_space<vmem_shared>>
        %dma_wait3A_525 = arith.constant 768 : i32
        %dma_wait3A_526 = arith.constant 0 : i32
        %dma_wait3A_527 = tpu.memref_slice %arg2[%dma_wait3A_525, %dma_wait3A_526] : memref<1000x128xf32, #tpu.memory_space<hbm>> -> memref<128x128xf32, #tpu.memory_space<hbm>>
        tpu.wait_dma2 semaphore(%run_scoped3A : memref<!tpu.dma_semaphore, #tpu.memory_space<semaphore_mem>>) src(%dma_wait3A_527 : memref<128x128xf32, #tpu.memory_space<hbm>>) dst(%dma_wait3A_524 : memref<128x128xf32, #tpu.memory_space<vmem_shared>>)
        tpu.yield
      }) : () -> ()
    } else {
    }
    %eq3A_33 = arith.constant 7 : i32
    %eq3A_34 = arith.cmpi eq, %arg1, %eq3A_33 : i32
    %convert_element_type3A_35 = arith.extui %eq3A_34 : i1 to i32
    %cond3A_36 = arith.constant 0 : i32
    %cond3A_37 = arith.cmpi ne, %convert_element_type3A_35, %cond3A_36 : i32
    scf.if %cond3A_37 {
      "tpu.region"() ({
        %run_scoped3A = tpu.sem_alloc : memref<!tpu.dma_semaphore, #tpu.memory_space<semaphore_mem>>
        %dma_start3A_516 = arith.constant 896 : i32
        %dma_start3A_517 = arith.constant 0 : i32
        %dma_start3A_518 = tpu.memref_slice %arg7[%dma_start3A_516, %dma_start3A_517] : memref<1000x128xf32, #tpu.memory_space<vmem_shared>> -> memref<104x128xf32, #tpu.memory_space<vmem_shared>>
        %dma_start3A_519 = arith.constant 896 : i32
        %dma_start3A_520 = arith.constant 0 : i32
        %dma_start3A_521 = tpu.memref_slice %arg2[%dma_start3A_519, %dma_start3A_520] : memref<1000x128xf32, #tpu.memory_space<hbm>> -> memref<104x128xf32, #tpu.memory_space<hbm>>
        tpu.enqueue_dma source(%dma_start3A_521 : memref<104x128xf32, #tpu.memory_space<hbm>>) target(%dma_start3A_518 : memref<104x128xf32, #tpu.memory_space<vmem_shared>>) target_semaphore(%run_scoped3A : memref<!tpu.dma_semaphore, #tpu.memory_space<semaphore_mem>>)
        %dma_wait3A_522 = arith.constant 896 : i32
        %dma_wait3A_523 = arith.constant 0 : i32
        %dma_wait3A_524 = tpu.memref_slice %arg7[%dma_wait3A_522, %dma_wait3A_523] : memref<1000x128xf32, #tpu.memory_space<vmem_shared>> -> memref<104x128xf32, #tpu.memory_space<vmem_shared>>
        %dma_wait3A_525 = arith.constant 896 : i32
        %dma_wait3A_526 = arith.constant 0 : i32
        %dma_wait3A_527 = tpu.memref_slice %arg2[%dma_wait3A_525, %dma_wait3A_526] : memref<1000x128xf32, #tpu.memory_space<hbm>> -> memref<104x128xf32, #tpu.memory_space<hbm>>
        tpu.wait_dma2 semaphore(%run_scoped3A : memref<!tpu.dma_semaphore, #tpu.memory_space<semaphore_mem>>) src(%dma_wait3A_527 : memref<104x128xf32, #tpu.memory_space<hbm>>) dst(%dma_wait3A_524 : memref<104x128xf32, #tpu.memory_space<vmem_shared>>)
        tpu.yield
      }) : () -> ()
    } else {
    }
    "tpu.region"() ({
      %run_scoped3A = tpu.sem_alloc : memref<!tpu.dma_semaphore, #tpu.memory_space<semaphore_mem>>
      %dma_start3A_516 = arith.constant 0 : i32
      %dma_start3A_517 = arith.constant 0 : i32
      %dma_start3A_518 = tpu.memref_slice %arg3[%add3A, %dma_start3A_516, %dma_start3A_517] : memref<32x8x64xi32, #tpu.memory_space<hbm>> -> memref<1x8x64xi32, #tpu.memory_space<hbm>>
      %dma_start3A_519 = tpu.memref_squeeze %dma_start3A_518 : memref<1x8x64xi32, #tpu.memory_space<hbm>> -> memref<8x64xi32, #tpu.memory_space<hbm>>
      %dma_start3A_520 = arith.constant 0 : i32
      %dma_start3A_521 = arith.constant 0 : i32
      %dma_start3A_522 = tpu.memref_slice %arg3[%add3A, %dma_start3A_520, %dma_start3A_521] : memref<32x8x64xi32, #tpu.memory_space<hbm>> -> memref<1x8x64xi32, #tpu.memory_space<hbm>>
      %dma_start3A_523 = tpu.memref_squeeze %dma_start3A_522 : memref<1x8x64xi32, #tpu.memory_space<hbm>> -> memref<8x64xi32, #tpu.memory_space<hbm>>
      tpu.enqueue_dma source(%dma_start3A_523 : memref<8x64xi32, #tpu.memory_space<hbm>>) target(%arg5 : memref<8x64xi32, #tpu.memory_space<vmem>>) target_semaphore(%run_scoped3A : memref<!tpu.dma_semaphore, #tpu.memory_space<semaphore_mem>>)
      %dma_wait3A_524 = arith.constant 0 : i32
      %dma_wait3A_525 = arith.constant 0 : i32
      %dma_wait3A_526 = tpu.memref_slice %arg3[%add3A, %dma_wait3A_524, %dma_wait3A_525] : memref<32x8x64xi32, #tpu.memory_space<hbm>> -> memref<1x8x64xi32, #tpu.memory_space<hbm>>
      %dma_wait3A_527 = tpu.memref_squeeze %dma_wait3A_526 : memref<1x8x64xi32, #tpu.memory_space<hbm>> -> memref<8x64xi32, #tpu.memory_space<hbm>>
      %dma_wait3A_528 = arith.constant 0 : i32
      %dma_wait3A_529 = arith.constant 0 : i32
      %dma_wait3A_530 = tpu.memref_slice %arg3[%add3A, %dma_wait3A_528, %dma_wait3A_529] : memref<32x8x64xi32, #tpu.memory_space<hbm>> -> memref<1x8x64xi32, #tpu.memory_space<hbm>>
      %dma_wait3A_531 = tpu.memref_squeeze %dma_wait3A_530 : memref<1x8x64xi32, #tpu.memory_space<hbm>> -> memref<8x64xi32, #tpu.memory_space<hbm>>
      tpu.wait_dma2 semaphore(%run_scoped3A : memref<!tpu.dma_semaphore, #tpu.memory_space<semaphore_mem>>) src(%dma_wait3A_531 : memref<8x64xi32, #tpu.memory_space<hbm>>) dst(%arg5 : memref<8x64xi32, #tpu.memory_space<vmem>>)
      tpu.yield
    }) : () -> ()
    %barrier3A = arith.constant 0 : index
    tpu.barrier barrier_id(%barrier3A)
    %dma_start3A = arith.constant 0 : i32
    %dma_start3A_38 = arith.constant 0 : i32
    %dma_start3A_39 = arith.constant 0 : i32
    %dma_start3A_40 = arith.constant 0 : i32
    %dma_start3A_41 = tpu.memref_slice %arg6[%dma_start3A_38, %dma_start3A_39, %dma_start3A_40] : memref<8x64x128xf32, #tpu.memory_space<vmem>> -> memref<1x64x128xf32, #tpu.memory_space<vmem>>
    %dma_start3A_42 = tpu.memref_squeeze %dma_start3A_41 : memref<1x64x128xf32, #tpu.memory_space<vmem>> -> memref<64x128xf32, #tpu.memory_space<vmem>>
    %dma_start3A_43 = arith.constant 0 : i32
    %dma_start3A_44 = tpu.memref_slice %arg5[%dma_start3A, %dma_start3A_43] : memref<8x64xi32, #tpu.memory_space<vmem>> -> memref<1x64xi32, #tpu.memory_space<vmem>>
    %dma_start3A_45 = tpu.memref_squeeze %dma_start3A_44 : memref<1x64xi32, #tpu.memory_space<vmem>> -> memref<64xi32, #tpu.memory_space<vmem>>
    %dma_start3A_46 = arith.constant 0 : i32
    %dma_start3A_47 = arith.constant 0 : i32
    %dma_start3A_48 = tpu.memref_slice %arg7[%dma_start3A_46, %dma_start3A_47] : memref<1000x128xf32, #tpu.memory_space<vmem_shared>> -> memref<1000x128xf32, #tpu.memory_space<vmem_shared>>
    tpu.enqueue_indirect_dma source(%dma_start3A_48 : memref<1000x128xf32, #tpu.memory_space<vmem_shared>>) target(%dma_start3A_42 : memref<64x128xf32, #tpu.memory_space<vmem>>) offsets(%dma_start3A_45 : memref<64xi32, #tpu.memory_space<vmem>>) semaphore(%arg8 : memref<!tpu.dma_semaphore, #tpu.memory_space<semaphore_mem>>)
    %dma_start3A_49 = arith.constant 1 : i32
    %dma_start3A_50 = arith.constant 1 : i32
    %dma_start3A_51 = arith.constant 0 : i32
    %dma_start3A_52 = arith.constant 0 : i32
    %dma_start3A_53 = tpu.memref_slice %arg6[%dma_start3A_50, %dma_start3A_51, %dma_start3A_52] : memref<8x64x128xf32, #tpu.memory_space<vmem>> -> memref<1x64x128xf32, #tpu.memory_space<vmem>>
    %dma_start3A_54 = tpu.memref_squeeze %dma_start3A_53 : memref<1x64x128xf32, #tpu.memory_space<vmem>> -> memref<64x128xf32, #tpu.memory_space<vmem>>
    %dma_start3A_55 = arith.constant 0 : i32
    %dma_start3A_56 = tpu.memref_slice %arg5[%dma_start3A_49, %dma_start3A_55] : memref<8x64xi32, #tpu.memory_space<vmem>> -> memref<1x64xi32, #tpu.memory_space<vmem>>
    %dma_start3A_57 = tpu.memref_squeeze %dma_start3A_56 : memref<1x64xi32, #tpu.memory_space<vmem>> -> memref<64xi32, #tpu.memory_space<vmem>>
    %dma_start3A_58 = arith.constant 0 : i32
    %dma_start3A_59 = arith.constant 0 : i32
    %dma_start3A_60 = tpu.memref_slice %arg7[%dma_start3A_58, %dma_start3A_59] : memref<1000x128xf32, #tpu.memory_space<vmem_shared>> -> memref<1000x128xf32, #tpu.memory_space<vmem_shared>>
    tpu.enqueue_indirect_dma source(%dma_start3A_60 : memref<1000x128xf32, #tpu.memory_space<vmem_shared>>) target(%dma_start3A_54 : memref<64x128xf32, #tpu.memory_space<vmem>>) offsets(%dma_start3A_57 : memref<64xi32, #tpu.memory_space<vmem>>) semaphore(%arg9 : memref<!tpu.dma_semaphore, #tpu.memory_space<semaphore_mem>>)
    %dma_start3A_61 = arith.constant 2 : i32
    %dma_start3A_62 = arith.constant 2 : i32
    %dma_start3A_63 = arith.constant 0 : i32
    %dma_start3A_64 = arith.constant 0 : i32
    %dma_start3A_65 = tpu.memref_slice %arg6[%dma_start3A_62, %dma_start3A_63, %dma_start3A_64] : memref<8x64x128xf32, #tpu.memory_space<vmem>> -> memref<1x64x128xf32, #tpu.memory_space<vmem>>
    %dma_start3A_66 = tpu.memref_squeeze %dma_start3A_65 : memref<1x64x128xf32, #tpu.memory_space<vmem>> -> memref<64x128xf32, #tpu.memory_space<vmem>>
    %dma_start3A_67 = arith.constant 0 : i32
    %dma_start3A_68 = tpu.memref_slice %arg5[%dma_start3A_61, %dma_start3A_67] : memref<8x64xi32, #tpu.memory_space<vmem>> -> memref<1x64xi32, #tpu.memory_space<vmem>>
    %dma_start3A_69 = tpu.memref_squeeze %dma_start3A_68 : memref<1x64xi32, #tpu.memory_space<vmem>> -> memref<64xi32, #tpu.memory_space<vmem>>
    %dma_start3A_70 = arith.constant 0 : i32
    %dma_start3A_71 = arith.constant 0 : i32
    %dma_start3A_72 = tpu.memref_slice %arg7[%dma_start3A_70, %dma_start3A_71] : memref<1000x128xf32, #tpu.memory_space<vmem_shared>> -> memref<1000x128xf32, #tpu.memory_space<vmem_shared>>
    tpu.enqueue_indirect_dma source(%dma_start3A_72 : memref<1000x128xf32, #tpu.memory_space<vmem_shared>>) target(%dma_start3A_66 : memref<64x128xf32, #tpu.memory_space<vmem>>) offsets(%dma_start3A_69 : memref<64xi32, #tpu.memory_space<vmem>>) semaphore(%arg10 : memref<!tpu.dma_semaphore, #tpu.memory_space<semaphore_mem>>)
    %dma_start3A_73 = arith.constant 3 : i32
    %dma_start3A_74 = arith.constant 3 : i32
    %dma_start3A_75 = arith.constant 0 : i32
    %dma_start3A_76 = arith.constant 0 : i32
    %dma_start3A_77 = tpu.memref_slice %arg6[%dma_start3A_74, %dma_start3A_75, %dma_start3A_76] : memref<8x64x128xf32, #tpu.memory_space<vmem>> -> memref<1x64x128xf32, #tpu.memory_space<vmem>>
    %dma_start3A_78 = tpu.memref_squeeze %dma_start3A_77 : memref<1x64x128xf32, #tpu.memory_space<vmem>> -> memref<64x128xf32, #tpu.memory_space<vmem>>
    %dma_start3A_79 = arith.constant 0 : i32
    %dma_start3A_80 = tpu.memref_slice %arg5[%dma_start3A_73, %dma_start3A_79] : memref<8x64xi32, #tpu.memory_space<vmem>> -> memref<1x64xi32, #tpu.memory_space<vmem>>
    %dma_start3A_81 = tpu.memref_squeeze %dma_start3A_80 : memref<1x64xi32, #tpu.memory_space<vmem>> -> memref<64xi32, #tpu.memory_space<vmem>>
    %dma_start3A_82 = arith.constant 0 : i32
    %dma_start3A_83 = arith.constant 0 : i32
    %dma_start3A_84 = tpu.memref_slice %arg7[%dma_start3A_82, %dma_start3A_83] : memref<1000x128xf32, #tpu.memory_space<vmem_shared>> -> memref<1000x128xf32, #tpu.memory_space<vmem_shared>>
    tpu.enqueue_indirect_dma source(%dma_start3A_84 : memref<1000x128xf32, #tpu.memory_space<vmem_shared>>) target(%dma_start3A_78 : memref<64x128xf32, #tpu.memory_space<vmem>>) offsets(%dma_start3A_81 : memref<64xi32, #tpu.memory_space<vmem>>) semaphore(%arg11 : memref<!tpu.dma_semaphore, #tpu.memory_space<semaphore_mem>>)
    %dma_start3A_85 = arith.constant 4 : i32
    %dma_start3A_86 = arith.constant 4 : i32
    %dma_start3A_87 = arith.constant 0 : i32
    %dma_start3A_88 = arith.constant 0 : i32
    %dma_start3A_89 = tpu.memref_slice %arg6[%dma_start3A_86, %dma_start3A_87, %dma_start3A_88] : memref<8x64x128xf32, #tpu.memory_space<vmem>> -> memref<1x64x128xf32, #tpu.memory_space<vmem>>
    %dma_start3A_90 = tpu.memref_squeeze %dma_start3A_89 : memref<1x64x128xf32, #tpu.memory_space<vmem>> -> memref<64x128xf32, #tpu.memory_space<vmem>>
    %dma_start3A_91 = arith.constant 0 : i32
    %dma_start3A_92 = tpu.memref_slice %arg5[%dma_start3A_85, %dma_start3A_91] : memref<8x64xi32, #tpu.memory_space<vmem>> -> memref<1x64xi32, #tpu.memory_space<vmem>>
    %dma_start3A_93 = tpu.memref_squeeze %dma_start3A_92 : memref<1x64xi32, #tpu.memory_space<vmem>> -> memref<64xi32, #tpu.memory_space<vmem>>
    %dma_start3A_94 = arith.constant 0 : i32
    %dma_start3A_95 = arith.constant 0 : i32
    %dma_start3A_96 = tpu.memref_slice %arg7[%dma_start3A_94, %dma_start3A_95] : memref<1000x128xf32, #tpu.memory_space<vmem_shared>> -> memref<1000x128xf32, #tpu.memory_space<vmem_shared>>
    tpu.enqueue_indirect_dma source(%dma_start3A_96 : memref<1000x128xf32, #tpu.memory_space<vmem_shared>>) target(%dma_start3A_90 : memref<64x128xf32, #tpu.memory_space<vmem>>) offsets(%dma_start3A_93 : memref<64xi32, #tpu.memory_space<vmem>>) semaphore(%arg12 : memref<!tpu.dma_semaphore, #tpu.memory_space<semaphore_mem>>)
    %dma_start3A_97 = arith.constant 5 : i32
    %dma_start3A_98 = arith.constant 5 : i32
    %dma_start3A_99 = arith.constant 0 : i32
    %dma_start3A_100 = arith.constant 0 : i32
    %dma_start3A_101 = tpu.memref_slice %arg6[%dma_start3A_98, %dma_start3A_99, %dma_start3A_100] : memref<8x64x128xf32, #tpu.memory_space<vmem>> -> memref<1x64x128xf32, #tpu.memory_space<vmem>>
    %dma_start3A_102 = tpu.memref_squeeze %dma_start3A_101 : memref<1x64x128xf32, #tpu.memory_space<vmem>> -> memref<64x128xf32, #tpu.memory_space<vmem>>
    %dma_start3A_103 = arith.constant 0 : i32
    %dma_start3A_104 = tpu.memref_slice %arg5[%dma_start3A_97, %dma_start3A_103] : memref<8x64xi32, #tpu.memory_space<vmem>> -> memref<1x64xi32, #tpu.memory_space<vmem>>
    %dma_start3A_105 = tpu.memref_squeeze %dma_start3A_104 : memref<1x64xi32, #tpu.memory_space<vmem>> -> memref<64xi32, #tpu.memory_space<vmem>>
    %dma_start3A_106 = arith.constant 0 : i32
    %dma_start3A_107 = arith.constant 0 : i32
    %dma_start3A_108 = tpu.memref_slice %arg7[%dma_start3A_106, %dma_start3A_107] : memref<1000x128xf32, #tpu.memory_space<vmem_shared>> -> memref<1000x128xf32, #tpu.memory_space<vmem_shared>>
    tpu.enqueue_indirect_dma source(%dma_start3A_108 : memref<1000x128xf32, #tpu.memory_space<vmem_shared>>) target(%dma_start3A_102 : memref<64x128xf32, #tpu.memory_space<vmem>>) offsets(%dma_start3A_105 : memref<64xi32, #tpu.memory_space<vmem>>) semaphore(%arg13 : memref<!tpu.dma_semaphore, #tpu.memory_space<semaphore_mem>>)
    %dma_start3A_109 = arith.constant 6 : i32
    %dma_start3A_110 = arith.constant 6 : i32
    %dma_start3A_111 = arith.constant 0 : i32
    %dma_start3A_112 = arith.constant 0 : i32
    %dma_start3A_113 = tpu.memref_slice %arg6[%dma_start3A_110, %dma_start3A_111, %dma_start3A_112] : memref<8x64x128xf32, #tpu.memory_space<vmem>> -> memref<1x64x128xf32, #tpu.memory_space<vmem>>
    %dma_start3A_114 = tpu.memref_squeeze %dma_start3A_113 : memref<1x64x128xf32, #tpu.memory_space<vmem>> -> memref<64x128xf32, #tpu.memory_space<vmem>>
    %dma_start3A_115 = arith.constant 0 : i32
    %dma_start3A_116 = tpu.memref_slice %arg5[%dma_start3A_109, %dma_start3A_115] : memref<8x64xi32, #tpu.memory_space<vmem>> -> memref<1x64xi32, #tpu.memory_space<vmem>>
    %dma_start3A_117 = tpu.memref_squeeze %dma_start3A_116 : memref<1x64xi32, #tpu.memory_space<vmem>> -> memref<64xi32, #tpu.memory_space<vmem>>
    %dma_start3A_118 = arith.constant 0 : i32
    %dma_start3A_119 = arith.constant 0 : i32
    %dma_start3A_120 = tpu.memref_slice %arg7[%dma_start3A_118, %dma_start3A_119] : memref<1000x128xf32, #tpu.memory_space<vmem_shared>> -> memref<1000x128xf32, #tpu.memory_space<vmem_shared>>
    tpu.enqueue_indirect_dma source(%dma_start3A_120 : memref<1000x128xf32, #tpu.memory_space<vmem_shared>>) target(%dma_start3A_114 : memref<64x128xf32, #tpu.memory_space<vmem>>) offsets(%dma_start3A_117 : memref<64xi32, #tpu.memory_space<vmem>>) semaphore(%arg14 : memref<!tpu.dma_semaphore, #tpu.memory_space<semaphore_mem>>)
    %dma_start3A_121 = arith.constant 7 : i32
    %dma_start3A_122 = arith.constant 7 : i32
    %dma_start3A_123 = arith.constant 0 : i32
    %dma_start3A_124 = arith.constant 0 : i32
    %dma_start3A_125 = tpu.memref_slice %arg6[%dma_start3A_122, %dma_start3A_123, %dma_start3A_124] : memref<8x64x128xf32, #tpu.memory_space<vmem>> -> memref<1x64x128xf32, #tpu.memory_space<vmem>>
    %dma_start3A_126 = tpu.memref_squeeze %dma_start3A_125 : memref<1x64x128xf32, #tpu.memory_space<vmem>> -> memref<64x128xf32, #tpu.memory_space<vmem>>
    %dma_start3A_127 = arith.constant 0 : i32
    %dma_start3A_128 = tpu.memref_slice %arg5[%dma_start3A_121, %dma_start3A_127] : memref<8x64xi32, #tpu.memory_space<vmem>> -> memref<1x64xi32, #tpu.memory_space<vmem>>
    %dma_start3A_129 = tpu.memref_squeeze %dma_start3A_128 : memref<1x64xi32, #tpu.memory_space<vmem>> -> memref<64xi32, #tpu.memory_space<vmem>>
    %dma_start3A_130 = arith.constant 0 : i32
    %dma_start3A_131 = arith.constant 0 : i32
    %dma_start3A_132 = tpu.memref_slice %arg7[%dma_start3A_130, %dma_start3A_131] : memref<1000x128xf32, #tpu.memory_space<vmem_shared>> -> memref<1000x128xf32, #tpu.memory_space<vmem_shared>>
    tpu.enqueue_indirect_dma source(%dma_start3A_132 : memref<1000x128xf32, #tpu.memory_space<vmem_shared>>) target(%dma_start3A_126 : memref<64x128xf32, #tpu.memory_space<vmem>>) offsets(%dma_start3A_129 : memref<64xi32, #tpu.memory_space<vmem>>) semaphore(%arg15 : memref<!tpu.dma_semaphore, #tpu.memory_space<semaphore_mem>>)
    %dma_wait3A = arith.constant 0 : i32
    %dma_wait3A_133 = arith.constant 0 : i32
    %dma_wait3A_134 = arith.constant 0 : i32
    %dma_wait3A_135 = arith.constant 0 : i32
    %dma_wait3A_136 = tpu.memref_slice %arg6[%dma_wait3A_133, %dma_wait3A_134, %dma_wait3A_135] : memref<8x64x128xf32, #tpu.memory_space<vmem>> -> memref<1x64x128xf32, #tpu.memory_space<vmem>>
    %dma_wait3A_137 = tpu.memref_squeeze %dma_wait3A_136 : memref<1x64x128xf32, #tpu.memory_space<vmem>> -> memref<64x128xf32, #tpu.memory_space<vmem>>
    %dma_wait3A_138 = arith.constant 0 : i32
    %dma_wait3A_139 = tpu.memref_slice %arg5[%dma_wait3A, %dma_wait3A_138] : memref<8x64xi32, #tpu.memory_space<vmem>> -> memref<1x64xi32, #tpu.memory_space<vmem>>
    %dma_wait3A_140 = tpu.memref_squeeze %dma_wait3A_139 : memref<1x64xi32, #tpu.memory_space<vmem>> -> memref<64xi32, #tpu.memory_space<vmem>>
    %dma_wait3A_141 = arith.constant 0 : i32
    %dma_wait3A_142 = arith.constant 0 : i32
    %dma_wait3A_143 = tpu.memref_slice %arg7[%dma_wait3A_141, %dma_wait3A_142] : memref<1000x128xf32, #tpu.memory_space<vmem_shared>> -> memref<1000x128xf32, #tpu.memory_space<vmem_shared>>
    tpu.wait_indirect_dma semaphore(%arg8 : memref<!tpu.dma_semaphore, #tpu.memory_space<semaphore_mem>>) src(%dma_wait3A_143 : memref<1000x128xf32, #tpu.memory_space<vmem_shared>>) dst(%dma_wait3A_137 : memref<64x128xf32, #tpu.memory_space<vmem>>)
    %dma_start3A_144 = arith.constant 0 : i32
    %dma_start3A_145 = arith.constant 0 : i32
    %dma_start3A_146 = arith.constant 0 : i32
    %dma_start3A_147 = arith.constant 0 : i32
    %dma_start3A_148 = tpu.memref_slice %arg6[%dma_start3A_144, %dma_start3A_146, %dma_start3A_147] : memref<8x64x128xf32, #tpu.memory_space<vmem>> -> memref<1x64x128xf32, #tpu.memory_space<vmem>>
    %dma_start3A_149 = tpu.memref_squeeze %dma_start3A_148 : memref<1x64x128xf32, #tpu.memory_space<vmem>> -> memref<64x128xf32, #tpu.memory_space<vmem>>
    %dma_start3A_150 = arith.constant 0 : i32
    %dma_start3A_151 = arith.constant 0 : i32
    %dma_start3A_152 = tpu.memref_slice %arg4[%add3A, %dma_start3A_145, %dma_start3A_150, %dma_start3A_151] : memref<32x8x64x128xf32, #tpu.memory_space<hbm>> -> memref<1x1x64x128xf32, #tpu.memory_space<hbm>>
    %dma_start3A_153 = tpu.memref_squeeze %dma_start3A_152 : memref<1x1x64x128xf32, #tpu.memory_space<hbm>> -> memref<64x128xf32, #tpu.memory_space<hbm>>
    %dma_start3A_154 = arith.constant 0 : i32
    %dma_start3A_155 = arith.constant 0 : i32
    %dma_start3A_156 = tpu.memref_slice %arg4[%add3A, %dma_start3A_145, %dma_start3A_154, %dma_start3A_155] : memref<32x8x64x128xf32, #tpu.memory_space<hbm>> -> memref<1x1x64x128xf32, #tpu.memory_space<hbm>>
    %dma_start3A_157 = tpu.memref_squeeze %dma_start3A_156 : memref<1x1x64x128xf32, #tpu.memory_space<hbm>> -> memref<64x128xf32, #tpu.memory_space<hbm>>
    %dma_start3A_158 = arith.constant 0 : i32
    %dma_start3A_159 = arith.constant 0 : i32
    %dma_start3A_160 = tpu.memref_slice %arg6[%dma_start3A_144, %dma_start3A_158, %dma_start3A_159] : memref<8x64x128xf32, #tpu.memory_space<vmem>> -> memref<1x64x128xf32, #tpu.memory_space<vmem>>
    %dma_start3A_161 = tpu.memref_squeeze %dma_start3A_160 : memref<1x64x128xf32, #tpu.memory_space<vmem>> -> memref<64x128xf32, #tpu.memory_space<vmem>>
    tpu.enqueue_dma source(%dma_start3A_161 : memref<64x128xf32, #tpu.memory_space<vmem>>) target(%dma_start3A_157 : memref<64x128xf32, #tpu.memory_space<hbm>>) target_semaphore(%arg16 : memref<!tpu.dma_semaphore, #tpu.memory_space<semaphore_mem>>)
    %dma_wait3A_162 = arith.constant 1 : i32
    %dma_wait3A_163 = arith.constant 1 : i32
    %dma_wait3A_164 = arith.constant 0 : i32
    %dma_wait3A_165 = arith.constant 0 : i32
    %dma_wait3A_166 = tpu.memref_slice %arg6[%dma_wait3A_163, %dma_wait3A_164, %dma_wait3A_165] : memref<8x64x128xf32, #tpu.memory_space<vmem>> -> memref<1x64x128xf32, #tpu.memory_space<vmem>>
    %dma_wait3A_167 = tpu.memref_squeeze %dma_wait3A_166 : memref<1x64x128xf32, #tpu.memory_space<vmem>> -> memref<64x128xf32, #tpu.memory_space<vmem>>
    %dma_wait3A_168 = arith.constant 0 : i32
    %dma_wait3A_169 = tpu.memref_slice %arg5[%dma_wait3A_162, %dma_wait3A_168] : memref<8x64xi32, #tpu.memory_space<vmem>> -> memref<1x64xi32, #tpu.memory_space<vmem>>
    %dma_wait3A_170 = tpu.memref_squeeze %dma_wait3A_169 : memref<1x64xi32, #tpu.memory_space<vmem>> -> memref<64xi32, #tpu.memory_space<vmem>>
    %dma_wait3A_171 = arith.constant 0 : i32
    %dma_wait3A_172 = arith.constant 0 : i32
    %dma_wait3A_173 = tpu.memref_slice %arg7[%dma_wait3A_171, %dma_wait3A_172] : memref<1000x128xf32, #tpu.memory_space<vmem_shared>> -> memref<1000x128xf32, #tpu.memory_space<vmem_shared>>
    tpu.wait_indirect_dma semaphore(%arg9 : memref<!tpu.dma_semaphore, #tpu.memory_space<semaphore_mem>>) src(%dma_wait3A_173 : memref<1000x128xf32, #tpu.memory_space<vmem_shared>>) dst(%dma_wait3A_167 : memref<64x128xf32, #tpu.memory_space<vmem>>)
    %dma_start3A_174 = arith.constant 1 : i32
    %dma_start3A_175 = arith.constant 1 : i32
    %dma_start3A_176 = arith.constant 0 : i32
    %dma_start3A_177 = arith.constant 0 : i32
    %dma_start3A_178 = tpu.memref_slice %arg6[%dma_start3A_174, %dma_start3A_176, %dma_start3A_177] : memref<8x64x128xf32, #tpu.memory_space<vmem>> -> memref<1x64x128xf32, #tpu.memory_space<vmem>>
    %dma_start3A_179 = tpu.memref_squeeze %dma_start3A_178 : memref<1x64x128xf32, #tpu.memory_space<vmem>> -> memref<64x128xf32, #tpu.memory_space<vmem>>
    %dma_start3A_180 = arith.constant 0 : i32
    %dma_start3A_181 = arith.constant 0 : i32
    %dma_start3A_182 = tpu.memref_slice %arg4[%add3A, %dma_start3A_175, %dma_start3A_180, %dma_start3A_181] : memref<32x8x64x128xf32, #tpu.memory_space<hbm>> -> memref<1x1x64x128xf32, #tpu.memory_space<hbm>>
    %dma_start3A_183 = tpu.memref_squeeze %dma_start3A_182 : memref<1x1x64x128xf32, #tpu.memory_space<hbm>> -> memref<64x128xf32, #tpu.memory_space<hbm>>
    %dma_start3A_184 = arith.constant 0 : i32
    %dma_start3A_185 = arith.constant 0 : i32
    %dma_start3A_186 = tpu.memref_slice %arg4[%add3A, %dma_start3A_175, %dma_start3A_184, %dma_start3A_185] : memref<32x8x64x128xf32, #tpu.memory_space<hbm>> -> memref<1x1x64x128xf32, #tpu.memory_space<hbm>>
    %dma_start3A_187 = tpu.memref_squeeze %dma_start3A_186 : memref<1x1x64x128xf32, #tpu.memory_space<hbm>> -> memref<64x128xf32, #tpu.memory_space<hbm>>
    %dma_start3A_188 = arith.constant 0 : i32
    %dma_start3A_189 = arith.constant 0 : i32
    %dma_start3A_190 = tpu.memref_slice %arg6[%dma_start3A_174, %dma_start3A_188, %dma_start3A_189] : memref<8x64x128xf32, #tpu.memory_space<vmem>> -> memref<1x64x128xf32, #tpu.memory_space<vmem>>
    %dma_start3A_191 = tpu.memref_squeeze %dma_start3A_190 : memref<1x64x128xf32, #tpu.memory_space<vmem>> -> memref<64x128xf32, #tpu.memory_space<vmem>>
    tpu.enqueue_dma source(%dma_start3A_191 : memref<64x128xf32, #tpu.memory_space<vmem>>) target(%dma_start3A_187 : memref<64x128xf32, #tpu.memory_space<hbm>>) target_semaphore(%arg16 : memref<!tpu.dma_semaphore, #tpu.memory_space<semaphore_mem>>)
    %dma_wait3A_192 = arith.constant 2 : i32
    %dma_wait3A_193 = arith.constant 2 : i32
    %dma_wait3A_194 = arith.constant 0 : i32
    %dma_wait3A_195 = arith.constant 0 : i32
    %dma_wait3A_196 = tpu.memref_slice %arg6[%dma_wait3A_193, %dma_wait3A_194, %dma_wait3A_195] : memref<8x64x128xf32, #tpu.memory_space<vmem>> -> memref<1x64x128xf32, #tpu.memory_space<vmem>>
    %dma_wait3A_197 = tpu.memref_squeeze %dma_wait3A_196 : memref<1x64x128xf32, #tpu.memory_space<vmem>> -> memref<64x128xf32, #tpu.memory_space<vmem>>
    %dma_wait3A_198 = arith.constant 0 : i32
    %dma_wait3A_199 = tpu.memref_slice %arg5[%dma_wait3A_192, %dma_wait3A_198] : memref<8x64xi32, #tpu.memory_space<vmem>> -> memref<1x64xi32, #tpu.memory_space<vmem>>
    %dma_wait3A_200 = tpu.memref_squeeze %dma_wait3A_199 : memref<1x64xi32, #tpu.memory_space<vmem>> -> memref<64xi32, #tpu.memory_space<vmem>>
    %dma_wait3A_201 = arith.constant 0 : i32
    %dma_wait3A_202 = arith.constant 0 : i32
    %dma_wait3A_203 = tpu.memref_slice %arg7[%dma_wait3A_201, %dma_wait3A_202] : memref<1000x128xf32, #tpu.memory_space<vmem_shared>> -> memref<1000x128xf32, #tpu.memory_space<vmem_shared>>
    tpu.wait_indirect_dma semaphore(%arg10 : memref<!tpu.dma_semaphore, #tpu.memory_space<semaphore_mem>>) src(%dma_wait3A_203 : memref<1000x128xf32, #tpu.memory_space<vmem_shared>>) dst(%dma_wait3A_197 : memref<64x128xf32, #tpu.memory_space<vmem>>)
    %dma_start3A_204 = arith.constant 2 : i32
    %dma_start3A_205 = arith.constant 2 : i32
    %dma_start3A_206 = arith.constant 0 : i32
    %dma_start3A_207 = arith.constant 0 : i32
    %dma_start3A_208 = tpu.memref_slice %arg6[%dma_start3A_204, %dma_start3A_206, %dma_start3A_207] : memref<8x64x128xf32, #tpu.memory_space<vmem>> -> memref<1x64x128xf32, #tpu.memory_space<vmem>>
    %dma_start3A_209 = tpu.memref_squeeze %dma_start3A_208 : memref<1x64x128xf32, #tpu.memory_space<vmem>> -> memref<64x128xf32, #tpu.memory_space<vmem>>
    %dma_start3A_210 = arith.constant 0 : i32
    %dma_start3A_211 = arith.constant 0 : i32
    %dma_start3A_212 = tpu.memref_slice %arg4[%add3A, %dma_start3A_205, %dma_start3A_210, %dma_start3A_211] : memref<32x8x64x128xf32, #tpu.memory_space<hbm>> -> memref<1x1x64x128xf32, #tpu.memory_space<hbm>>
    %dma_start3A_213 = tpu.memref_squeeze %dma_start3A_212 : memref<1x1x64x128xf32, #tpu.memory_space<hbm>> -> memref<64x128xf32, #tpu.memory_space<hbm>>
    %dma_start3A_214 = arith.constant 0 : i32
    %dma_start3A_215 = arith.constant 0 : i32
    %dma_start3A_216 = tpu.memref_slice %arg4[%add3A, %dma_start3A_205, %dma_start3A_214, %dma_start3A_215] : memref<32x8x64x128xf32, #tpu.memory_space<hbm>> -> memref<1x1x64x128xf32, #tpu.memory_space<hbm>>
    %dma_start3A_217 = tpu.memref_squeeze %dma_start3A_216 : memref<1x1x64x128xf32, #tpu.memory_space<hbm>> -> memref<64x128xf32, #tpu.memory_space<hbm>>
    %dma_start3A_218 = arith.constant 0 : i32
    %dma_start3A_219 = arith.constant 0 : i32
    %dma_start3A_220 = tpu.memref_slice %arg6[%dma_start3A_204, %dma_start3A_218, %dma_start3A_219] : memref<8x64x128xf32, #tpu.memory_space<vmem>> -> memref<1x64x128xf32, #tpu.memory_space<vmem>>
    %dma_start3A_221 = tpu.memref_squeeze %dma_start3A_220 : memref<1x64x128xf32, #tpu.memory_space<vmem>> -> memref<64x128xf32, #tpu.memory_space<vmem>>
    tpu.enqueue_dma source(%dma_start3A_221 : memref<64x128xf32, #tpu.memory_space<vmem>>) target(%dma_start3A_217 : memref<64x128xf32, #tpu.memory_space<hbm>>) target_semaphore(%arg16 : memref<!tpu.dma_semaphore, #tpu.memory_space<semaphore_mem>>)
    %dma_wait3A_222 = arith.constant 3 : i32
    %dma_wait3A_223 = arith.constant 3 : i32
    %dma_wait3A_224 = arith.constant 0 : i32
    %dma_wait3A_225 = arith.constant 0 : i32
    %dma_wait3A_226 = tpu.memref_slice %arg6[%dma_wait3A_223, %dma_wait3A_224, %dma_wait3A_225] : memref<8x64x128xf32, #tpu.memory_space<vmem>> -> memref<1x64x128xf32, #tpu.memory_space<vmem>>
    %dma_wait3A_227 = tpu.memref_squeeze %dma_wait3A_226 : memref<1x64x128xf32, #tpu.memory_space<vmem>> -> memref<64x128xf32, #tpu.memory_space<vmem>>
    %dma_wait3A_228 = arith.constant 0 : i32
    %dma_wait3A_229 = tpu.memref_slice %arg5[%dma_wait3A_222, %dma_wait3A_228] : memref<8x64xi32, #tpu.memory_space<vmem>> -> memref<1x64xi32, #tpu.memory_space<vmem>>
    %dma_wait3A_230 = tpu.memref_squeeze %dma_wait3A_229 : memref<1x64xi32, #tpu.memory_space<vmem>> -> memref<64xi32, #tpu.memory_space<vmem>>
    %dma_wait3A_231 = arith.constant 0 : i32
    %dma_wait3A_232 = arith.constant 0 : i32
    %dma_wait3A_233 = tpu.memref_slice %arg7[%dma_wait3A_231, %dma_wait3A_232] : memref<1000x128xf32, #tpu.memory_space<vmem_shared>> -> memref<1000x128xf32, #tpu.memory_space<vmem_shared>>
    tpu.wait_indirect_dma semaphore(%arg11 : memref<!tpu.dma_semaphore, #tpu.memory_space<semaphore_mem>>) src(%dma_wait3A_233 : memref<1000x128xf32, #tpu.memory_space<vmem_shared>>) dst(%dma_wait3A_227 : memref<64x128xf32, #tpu.memory_space<vmem>>)
    %dma_start3A_234 = arith.constant 3 : i32
    %dma_start3A_235 = arith.constant 3 : i32
    %dma_start3A_236 = arith.constant 0 : i32
    %dma_start3A_237 = arith.constant 0 : i32
    %dma_start3A_238 = tpu.memref_slice %arg6[%dma_start3A_234, %dma_start3A_236, %dma_start3A_237] : memref<8x64x128xf32, #tpu.memory_space<vmem>> -> memref<1x64x128xf32, #tpu.memory_space<vmem>>
    %dma_start3A_239 = tpu.memref_squeeze %dma_start3A_238 : memref<1x64x128xf32, #tpu.memory_space<vmem>> -> memref<64x128xf32, #tpu.memory_space<vmem>>
    %dma_start3A_240 = arith.constant 0 : i32
    %dma_start3A_241 = arith.constant 0 : i32
    %dma_start3A_242 = tpu.memref_slice %arg4[%add3A, %dma_start3A_235, %dma_start3A_240, %dma_start3A_241] : memref<32x8x64x128xf32, #tpu.memory_space<hbm>> -> memref<1x1x64x128xf32, #tpu.memory_space<hbm>>
    %dma_start3A_243 = tpu.memref_squeeze %dma_start3A_242 : memref<1x1x64x128xf32, #tpu.memory_space<hbm>> -> memref<64x128xf32, #tpu.memory_space<hbm>>
    %dma_start3A_244 = arith.constant 0 : i32
    %dma_start3A_245 = arith.constant 0 : i32
    %dma_start3A_246 = tpu.memref_slice %arg4[%add3A, %dma_start3A_235, %dma_start3A_244, %dma_start3A_245] : memref<32x8x64x128xf32, #tpu.memory_space<hbm>> -> memref<1x1x64x128xf32, #tpu.memory_space<hbm>>
    %dma_start3A_247 = tpu.memref_squeeze %dma_start3A_246 : memref<1x1x64x128xf32, #tpu.memory_space<hbm>> -> memref<64x128xf32, #tpu.memory_space<hbm>>
    %dma_start3A_248 = arith.constant 0 : i32
    %dma_start3A_249 = arith.constant 0 : i32
    %dma_start3A_250 = tpu.memref_slice %arg6[%dma_start3A_234, %dma_start3A_248, %dma_start3A_249] : memref<8x64x128xf32, #tpu.memory_space<vmem>> -> memref<1x64x128xf32, #tpu.memory_space<vmem>>
    %dma_start3A_251 = tpu.memref_squeeze %dma_start3A_250 : memref<1x64x128xf32, #tpu.memory_space<vmem>> -> memref<64x128xf32, #tpu.memory_space<vmem>>
    tpu.enqueue_dma source(%dma_start3A_251 : memref<64x128xf32, #tpu.memory_space<vmem>>) target(%dma_start3A_247 : memref<64x128xf32, #tpu.memory_space<hbm>>) target_semaphore(%arg16 : memref<!tpu.dma_semaphore, #tpu.memory_space<semaphore_mem>>)
    %dma_wait3A_252 = arith.constant 4 : i32
    %dma_wait3A_253 = arith.constant 4 : i32
    %dma_wait3A_254 = arith.constant 0 : i32
    %dma_wait3A_255 = arith.constant 0 : i32
    %dma_wait3A_256 = tpu.memref_slice %arg6[%dma_wait3A_253, %dma_wait3A_254, %dma_wait3A_255] : memref<8x64x128xf32, #tpu.memory_space<vmem>> -> memref<1x64x128xf32, #tpu.memory_space<vmem>>
    %dma_wait3A_257 = tpu.memref_squeeze %dma_wait3A_256 : memref<1x64x128xf32, #tpu.memory_space<vmem>> -> memref<64x128xf32, #tpu.memory_space<vmem>>
    %dma_wait3A_258 = arith.constant 0 : i32
    %dma_wait3A_259 = tpu.memref_slice %arg5[%dma_wait3A_252, %dma_wait3A_258] : memref<8x64xi32, #tpu.memory_space<vmem>> -> memref<1x64xi32, #tpu.memory_space<vmem>>
    %dma_wait3A_260 = tpu.memref_squeeze %dma_wait3A_259 : memref<1x64xi32, #tpu.memory_space<vmem>> -> memref<64xi32, #tpu.memory_space<vmem>>
    %dma_wait3A_261 = arith.constant 0 : i32
    %dma_wait3A_262 = arith.constant 0 : i32
    %dma_wait3A_263 = tpu.memref_slice %arg7[%dma_wait3A_261, %dma_wait3A_262] : memref<1000x128xf32, #tpu.memory_space<vmem_shared>> -> memref<1000x128xf32, #tpu.memory_space<vmem_shared>>
    tpu.wait_indirect_dma semaphore(%arg12 : memref<!tpu.dma_semaphore, #tpu.memory_space<semaphore_mem>>) src(%dma_wait3A_263 : memref<1000x128xf32, #tpu.memory_space<vmem_shared>>) dst(%dma_wait3A_257 : memref<64x128xf32, #tpu.memory_space<vmem>>)
    %dma_start3A_264 = arith.constant 4 : i32
    %dma_start3A_265 = arith.constant 4 : i32
    %dma_start3A_266 = arith.constant 0 : i32
    %dma_start3A_267 = arith.constant 0 : i32
    %dma_start3A_268 = tpu.memref_slice %arg6[%dma_start3A_264, %dma_start3A_266, %dma_start3A_267] : memref<8x64x128xf32, #tpu.memory_space<vmem>> -> memref<1x64x128xf32, #tpu.memory_space<vmem>>
    %dma_start3A_269 = tpu.memref_squeeze %dma_start3A_268 : memref<1x64x128xf32, #tpu.memory_space<vmem>> -> memref<64x128xf32, #tpu.memory_space<vmem>>
    %dma_start3A_270 = arith.constant 0 : i32
    %dma_start3A_271 = arith.constant 0 : i32
    %dma_start3A_272 = tpu.memref_slice %arg4[%add3A, %dma_start3A_265, %dma_start3A_270, %dma_start3A_271] : memref<32x8x64x128xf32, #tpu.memory_space<hbm>> -> memref<1x1x64x128xf32, #tpu.memory_space<hbm>>
    %dma_start3A_273 = tpu.memref_squeeze %dma_start3A_272 : memref<1x1x64x128xf32, #tpu.memory_space<hbm>> -> memref<64x128xf32, #tpu.memory_space<hbm>>
    %dma_start3A_274 = arith.constant 0 : i32
    %dma_start3A_275 = arith.constant 0 : i32
    %dma_start3A_276 = tpu.memref_slice %arg4[%add3A, %dma_start3A_265, %dma_start3A_274, %dma_start3A_275] : memref<32x8x64x128xf32, #tpu.memory_space<hbm>> -> memref<1x1x64x128xf32, #tpu.memory_space<hbm>>
    %dma_start3A_277 = tpu.memref_squeeze %dma_start3A_276 : memref<1x1x64x128xf32, #tpu.memory_space<hbm>> -> memref<64x128xf32, #tpu.memory_space<hbm>>
    %dma_start3A_278 = arith.constant 0 : i32
    %dma_start3A_279 = arith.constant 0 : i32
    %dma_start3A_280 = tpu.memref_slice %arg6[%dma_start3A_264, %dma_start3A_278, %dma_start3A_279] : memref<8x64x128xf32, #tpu.memory_space<vmem>> -> memref<1x64x128xf32, #tpu.memory_space<vmem>>
    %dma_start3A_281 = tpu.memref_squeeze %dma_start3A_280 : memref<1x64x128xf32, #tpu.memory_space<vmem>> -> memref<64x128xf32, #tpu.memory_space<vmem>>
    tpu.enqueue_dma source(%dma_start3A_281 : memref<64x128xf32, #tpu.memory_space<vmem>>) target(%dma_start3A_277 : memref<64x128xf32, #tpu.memory_space<hbm>>) target_semaphore(%arg16 : memref<!tpu.dma_semaphore, #tpu.memory_space<semaphore_mem>>)
    %dma_wait3A_282 = arith.constant 5 : i32
    %dma_wait3A_283 = arith.constant 5 : i32
    %dma_wait3A_284 = arith.constant 0 : i32
    %dma_wait3A_285 = arith.constant 0 : i32
    %dma_wait3A_286 = tpu.memref_slice %arg6[%dma_wait3A_283, %dma_wait3A_284, %dma_wait3A_285] : memref<8x64x128xf32, #tpu.memory_space<vmem>> -> memref<1x64x128xf32, #tpu.memory_space<vmem>>
    %dma_wait3A_287 = tpu.memref_squeeze %dma_wait3A_286 : memref<1x64x128xf32, #tpu.memory_space<vmem>> -> memref<64x128xf32, #tpu.memory_space<vmem>>
    %dma_wait3A_288 = arith.constant 0 : i32
    %dma_wait3A_289 = tpu.memref_slice %arg5[%dma_wait3A_282, %dma_wait3A_288] : memref<8x64xi32, #tpu.memory_space<vmem>> -> memref<1x64xi32, #tpu.memory_space<vmem>>
    %dma_wait3A_290 = tpu.memref_squeeze %dma_wait3A_289 : memref<1x64xi32, #tpu.memory_space<vmem>> -> memref<64xi32, #tpu.memory_space<vmem>>
    %dma_wait3A_291 = arith.constant 0 : i32
    %dma_wait3A_292 = arith.constant 0 : i32
    %dma_wait3A_293 = tpu.memref_slice %arg7[%dma_wait3A_291, %dma_wait3A_292] : memref<1000x128xf32, #tpu.memory_space<vmem_shared>> -> memref<1000x128xf32, #tpu.memory_space<vmem_shared>>
    tpu.wait_indirect_dma semaphore(%arg13 : memref<!tpu.dma_semaphore, #tpu.memory_space<semaphore_mem>>) src(%dma_wait3A_293 : memref<1000x128xf32, #tpu.memory_space<vmem_shared>>) dst(%dma_wait3A_287 : memref<64x128xf32, #tpu.memory_space<vmem>>)
    %dma_start3A_294 = arith.constant 5 : i32
    %dma_start3A_295 = arith.constant 5 : i32
    %dma_start3A_296 = arith.constant 0 : i32
    %dma_start3A_297 = arith.constant 0 : i32
    %dma_start3A_298 = tpu.memref_slice %arg6[%dma_start3A_294, %dma_start3A_296, %dma_start3A_297] : memref<8x64x128xf32, #tpu.memory_space<vmem>> -> memref<1x64x128xf32, #tpu.memory_space<vmem>>
    %dma_start3A_299 = tpu.memref_squeeze %dma_start3A_298 : memref<1x64x128xf32, #tpu.memory_space<vmem>> -> memref<64x128xf32, #tpu.memory_space<vmem>>
    %dma_start3A_300 = arith.constant 0 : i32
    %dma_start3A_301 = arith.constant 0 : i32
    %dma_start3A_302 = tpu.memref_slice %arg4[%add3A, %dma_start3A_295, %dma_start3A_300, %dma_start3A_301] : memref<32x8x64x128xf32, #tpu.memory_space<hbm>> -> memref<1x1x64x128xf32, #tpu.memory_space<hbm>>
    %dma_start3A_303 = tpu.memref_squeeze %dma_start3A_302 : memref<1x1x64x128xf32, #tpu.memory_space<hbm>> -> memref<64x128xf32, #tpu.memory_space<hbm>>
    %dma_start3A_304 = arith.constant 0 : i32
    %dma_start3A_305 = arith.constant 0 : i32
    %dma_start3A_306 = tpu.memref_slice %arg4[%add3A, %dma_start3A_295, %dma_start3A_304, %dma_start3A_305] : memref<32x8x64x128xf32, #tpu.memory_space<hbm>> -> memref<1x1x64x128xf32, #tpu.memory_space<hbm>>
    %dma_start3A_307 = tpu.memref_squeeze %dma_start3A_306 : memref<1x1x64x128xf32, #tpu.memory_space<hbm>> -> memref<64x128xf32, #tpu.memory_space<hbm>>
    %dma_start3A_308 = arith.constant 0 : i32
    %dma_start3A_309 = arith.constant 0 : i32
    %dma_start3A_310 = tpu.memref_slice %arg6[%dma_start3A_294, %dma_start3A_308, %dma_start3A_309] : memref<8x64x128xf32, #tpu.memory_space<vmem>> -> memref<1x64x128xf32, #tpu.memory_space<vmem>>
    %dma_start3A_311 = tpu.memref_squeeze %dma_start3A_310 : memref<1x64x128xf32, #tpu.memory_space<vmem>> -> memref<64x128xf32, #tpu.memory_space<vmem>>
    tpu.enqueue_dma source(%dma_start3A_311 : memref<64x128xf32, #tpu.memory_space<vmem>>) target(%dma_start3A_307 : memref<64x128xf32, #tpu.memory_space<hbm>>) target_semaphore(%arg16 : memref<!tpu.dma_semaphore, #tpu.memory_space<semaphore_mem>>)
    %dma_wait3A_312 = arith.constant 6 : i32
    %dma_wait3A_313 = arith.constant 6 : i32
    %dma_wait3A_314 = arith.constant 0 : i32
    %dma_wait3A_315 = arith.constant 0 : i32
    %dma_wait3A_316 = tpu.memref_slice %arg6[%dma_wait3A_313, %dma_wait3A_314, %dma_wait3A_315] : memref<8x64x128xf32, #tpu.memory_space<vmem>> -> memref<1x64x128xf32, #tpu.memory_space<vmem>>
    %dma_wait3A_317 = tpu.memref_squeeze %dma_wait3A_316 : memref<1x64x128xf32, #tpu.memory_space<vmem>> -> memref<64x128xf32, #tpu.memory_space<vmem>>
    %dma_wait3A_318 = arith.constant 0 : i32
    %dma_wait3A_319 = tpu.memref_slice %arg5[%dma_wait3A_312, %dma_wait3A_318] : memref<8x64xi32, #tpu.memory_space<vmem>> -> memref<1x64xi32, #tpu.memory_space<vmem>>
    %dma_wait3A_320 = tpu.memref_squeeze %dma_wait3A_319 : memref<1x64xi32, #tpu.memory_space<vmem>> -> memref<64xi32, #tpu.memory_space<vmem>>
    %dma_wait3A_321 = arith.constant 0 : i32
    %dma_wait3A_322 = arith.constant 0 : i32
    %dma_wait3A_323 = tpu.memref_slice %arg7[%dma_wait3A_321, %dma_wait3A_322] : memref<1000x128xf32, #tpu.memory_space<vmem_shared>> -> memref<1000x128xf32, #tpu.memory_space<vmem_shared>>
    tpu.wait_indirect_dma semaphore(%arg14 : memref<!tpu.dma_semaphore, #tpu.memory_space<semaphore_mem>>) src(%dma_wait3A_323 : memref<1000x128xf32, #tpu.memory_space<vmem_shared>>) dst(%dma_wait3A_317 : memref<64x128xf32, #tpu.memory_space<vmem>>)
    %dma_start3A_324 = arith.constant 6 : i32
    %dma_start3A_325 = arith.constant 6 : i32
    %dma_start3A_326 = arith.constant 0 : i32
    %dma_start3A_327 = arith.constant 0 : i32
    %dma_start3A_328 = tpu.memref_slice %arg6[%dma_start3A_324, %dma_start3A_326, %dma_start3A_327] : memref<8x64x128xf32, #tpu.memory_space<vmem>> -> memref<1x64x128xf32, #tpu.memory_space<vmem>>
    %dma_start3A_329 = tpu.memref_squeeze %dma_start3A_328 : memref<1x64x128xf32, #tpu.memory_space<vmem>> -> memref<64x128xf32, #tpu.memory_space<vmem>>
    %dma_start3A_330 = arith.constant 0 : i32
    %dma_start3A_331 = arith.constant 0 : i32
    %dma_start3A_332 = tpu.memref_slice %arg4[%add3A, %dma_start3A_325, %dma_start3A_330, %dma_start3A_331] : memref<32x8x64x128xf32, #tpu.memory_space<hbm>> -> memref<1x1x64x128xf32, #tpu.memory_space<hbm>>
    %dma_start3A_333 = tpu.memref_squeeze %dma_start3A_332 : memref<1x1x64x128xf32, #tpu.memory_space<hbm>> -> memref<64x128xf32, #tpu.memory_space<hbm>>
    %dma_start3A_334 = arith.constant 0 : i32
    %dma_start3A_335 = arith.constant 0 : i32
    %dma_start3A_336 = tpu.memref_slice %arg4[%add3A, %dma_start3A_325, %dma_start3A_334, %dma_start3A_335] : memref<32x8x64x128xf32, #tpu.memory_space<hbm>> -> memref<1x1x64x128xf32, #tpu.memory_space<hbm>>
    %dma_start3A_337 = tpu.memref_squeeze %dma_start3A_336 : memref<1x1x64x128xf32, #tpu.memory_space<hbm>> -> memref<64x128xf32, #tpu.memory_space<hbm>>
    %dma_start3A_338 = arith.constant 0 : i32
    %dma_start3A_339 = arith.constant 0 : i32
    %dma_start3A_340 = tpu.memref_slice %arg6[%dma_start3A_324, %dma_start3A_338, %dma_start3A_339] : memref<8x64x128xf32, #tpu.memory_space<vmem>> -> memref<1x64x128xf32, #tpu.memory_space<vmem>>
    %dma_start3A_341 = tpu.memref_squeeze %dma_start3A_340 : memref<1x64x128xf32, #tpu.memory_space<vmem>> -> memref<64x128xf32, #tpu.memory_space<vmem>>
    tpu.enqueue_dma source(%dma_start3A_341 : memref<64x128xf32, #tpu.memory_space<vmem>>) target(%dma_start3A_337 : memref<64x128xf32, #tpu.memory_space<hbm>>) target_semaphore(%arg16 : memref<!tpu.dma_semaphore, #tpu.memory_space<semaphore_mem>>)
    %dma_wait3A_342 = arith.constant 7 : i32
    %dma_wait3A_343 = arith.constant 7 : i32
    %dma_wait3A_344 = arith.constant 0 : i32
    %dma_wait3A_345 = arith.constant 0 : i32
    %dma_wait3A_346 = tpu.memref_slice %arg6[%dma_wait3A_343, %dma_wait3A_344, %dma_wait3A_345] : memref<8x64x128xf32, #tpu.memory_space<vmem>> -> memref<1x64x128xf32, #tpu.memory_space<vmem>>
    %dma_wait3A_347 = tpu.memref_squeeze %dma_wait3A_346 : memref<1x64x128xf32, #tpu.memory_space<vmem>> -> memref<64x128xf32, #tpu.memory_space<vmem>>
    %dma_wait3A_348 = arith.constant 0 : i32
    %dma_wait3A_349 = tpu.memref_slice %arg5[%dma_wait3A_342, %dma_wait3A_348] : memref<8x64xi32, #tpu.memory_space<vmem>> -> memref<1x64xi32, #tpu.memory_space<vmem>>
    %dma_wait3A_350 = tpu.memref_squeeze %dma_wait3A_349 : memref<1x64xi32, #tpu.memory_space<vmem>> -> memref<64xi32, #tpu.memory_space<vmem>>
    %dma_wait3A_351 = arith.constant 0 : i32
    %dma_wait3A_352 = arith.constant 0 : i32
    %dma_wait3A_353 = tpu.memref_slice %arg7[%dma_wait3A_351, %dma_wait3A_352] : memref<1000x128xf32, #tpu.memory_space<vmem_shared>> -> memref<1000x128xf32, #tpu.memory_space<vmem_shared>>
    tpu.wait_indirect_dma semaphore(%arg15 : memref<!tpu.dma_semaphore, #tpu.memory_space<semaphore_mem>>) src(%dma_wait3A_353 : memref<1000x128xf32, #tpu.memory_space<vmem_shared>>) dst(%dma_wait3A_347 : memref<64x128xf32, #tpu.memory_space<vmem>>)
    %dma_start3A_354 = arith.constant 7 : i32
    %dma_start3A_355 = arith.constant 7 : i32
    %dma_start3A_356 = arith.constant 0 : i32
    %dma_start3A_357 = arith.constant 0 : i32
    %dma_start3A_358 = tpu.memref_slice %arg6[%dma_start3A_354, %dma_start3A_356, %dma_start3A_357] : memref<8x64x128xf32, #tpu.memory_space<vmem>> -> memref<1x64x128xf32, #tpu.memory_space<vmem>>
    %dma_start3A_359 = tpu.memref_squeeze %dma_start3A_358 : memref<1x64x128xf32, #tpu.memory_space<vmem>> -> memref<64x128xf32, #tpu.memory_space<vmem>>
    %dma_start3A_360 = arith.constant 0 : i32
    %dma_start3A_361 = arith.constant 0 : i32
    %dma_start3A_362 = tpu.memref_slice %arg4[%add3A, %dma_start3A_355, %dma_start3A_360, %dma_start3A_361] : memref<32x8x64x128xf32, #tpu.memory_space<hbm>> -> memref<1x1x64x128xf32, #tpu.memory_space<hbm>>
    %dma_start3A_363 = tpu.memref_squeeze %dma_start3A_362 : memref<1x1x64x128xf32, #tpu.memory_space<hbm>> -> memref<64x128xf32, #tpu.memory_space<hbm>>
    %dma_start3A_364 = arith.constant 0 : i32
    %dma_start3A_365 = arith.constant 0 : i32
    %dma_start3A_366 = tpu.memref_slice %arg4[%add3A, %dma_start3A_355, %dma_start3A_364, %dma_start3A_365] : memref<32x8x64x128xf32, #tpu.memory_space<hbm>> -> memref<1x1x64x128xf32, #tpu.memory_space<hbm>>
    %dma_start3A_367 = tpu.memref_squeeze %dma_start3A_366 : memref<1x1x64x128xf32, #tpu.memory_space<hbm>> -> memref<64x128xf32, #tpu.memory_space<hbm>>
    %dma_start3A_368 = arith.constant 0 : i32
    %dma_start3A_369 = arith.constant 0 : i32
    %dma_start3A_370 = tpu.memref_slice %arg6[%dma_start3A_354, %dma_start3A_368, %dma_start3A_369] : memref<8x64x128xf32, #tpu.memory_space<vmem>> -> memref<1x64x128xf32, #tpu.memory_space<vmem>>
    %dma_start3A_371 = tpu.memref_squeeze %dma_start3A_370 : memref<1x64x128xf32, #tpu.memory_space<vmem>> -> memref<64x128xf32, #tpu.memory_space<vmem>>
    tpu.enqueue_dma source(%dma_start3A_371 : memref<64x128xf32, #tpu.memory_space<vmem>>) target(%dma_start3A_367 : memref<64x128xf32, #tpu.memory_space<hbm>>) target_semaphore(%arg16 : memref<!tpu.dma_semaphore, #tpu.memory_space<semaphore_mem>>)
    %dma_wait3A_372 = arith.constant 0 : i32
    %dma_wait3A_373 = arith.constant 0 : i32
    %dma_wait3A_374 = arith.constant 0 : i32
    %dma_wait3A_375 = arith.constant 0 : i32
    %dma_wait3A_376 = tpu.memref_slice %arg6[%dma_wait3A_372, %dma_wait3A_374, %dma_wait3A_375] : memref<8x64x128xf32, #tpu.memory_space<vmem>> -> memref<1x64x128xf32, #tpu.memory_space<vmem>>
    %dma_wait3A_377 = tpu.memref_squeeze %dma_wait3A_376 : memref<1x64x128xf32, #tpu.memory_space<vmem>> -> memref<64x128xf32, #tpu.memory_space<vmem>>
    %dma_wait3A_378 = arith.constant 0 : i32
    %dma_wait3A_379 = arith.constant 0 : i32
    %dma_wait3A_380 = tpu.memref_slice %arg4[%add3A, %dma_wait3A_373, %dma_wait3A_378, %dma_wait3A_379] : memref<32x8x64x128xf32, #tpu.memory_space<hbm>> -> memref<1x1x64x128xf32, #tpu.memory_space<hbm>>
    %dma_wait3A_381 = tpu.memref_squeeze %dma_wait3A_380 : memref<1x1x64x128xf32, #tpu.memory_space<hbm>> -> memref<64x128xf32, #tpu.memory_space<hbm>>
    %dma_wait3A_382 = arith.constant 0 : i32
    %dma_wait3A_383 = arith.constant 0 : i32
    %dma_wait3A_384 = tpu.memref_slice %arg4[%add3A, %dma_wait3A_373, %dma_wait3A_382, %dma_wait3A_383] : memref<32x8x64x128xf32, #tpu.memory_space<hbm>> -> memref<1x1x64x128xf32, #tpu.memory_space<hbm>>
    %dma_wait3A_385 = tpu.memref_squeeze %dma_wait3A_384 : memref<1x1x64x128xf32, #tpu.memory_space<hbm>> -> memref<64x128xf32, #tpu.memory_space<hbm>>
    %dma_wait3A_386 = arith.constant 0 : i32
    %dma_wait3A_387 = arith.constant 0 : i32
    %dma_wait3A_388 = tpu.memref_slice %arg6[%dma_wait3A_372, %dma_wait3A_386, %dma_wait3A_387] : memref<8x64x128xf32, #tpu.memory_space<vmem>> -> memref<1x64x128xf32, #tpu.memory_space<vmem>>
    %dma_wait3A_389 = tpu.memref_squeeze %dma_wait3A_388 : memref<1x64x128xf32, #tpu.memory_space<vmem>> -> memref<64x128xf32, #tpu.memory_space<vmem>>
    tpu.wait_dma2 semaphore(%arg16 : memref<!tpu.dma_semaphore, #tpu.memory_space<semaphore_mem>>) src(%dma_wait3A_389 : memref<64x128xf32, #tpu.memory_space<vmem>>) dst(%dma_wait3A_385 : memref<64x128xf32, #tpu.memory_space<hbm>>)
    %dma_wait3A_390 = arith.constant 1 : i32
    %dma_wait3A_391 = arith.constant 1 : i32
    %dma_wait3A_392 = arith.constant 0 : i32
    %dma_wait3A_393 = arith.constant 0 : i32
    %dma_wait3A_394 = tpu.memref_slice %arg6[%dma_wait3A_390, %dma_wait3A_392, %dma_wait3A_393] : memref<8x64x128xf32, #tpu.memory_space<vmem>> -> memref<1x64x128xf32, #tpu.memory_space<vmem>>
    %dma_wait3A_395 = tpu.memref_squeeze %dma_wait3A_394 : memref<1x64x128xf32, #tpu.memory_space<vmem>> -> memref<64x128xf32, #tpu.memory_space<vmem>>
    %dma_wait3A_396 = arith.constant 0 : i32
    %dma_wait3A_397 = arith.constant 0 : i32
    %dma_wait3A_398 = tpu.memref_slice %arg4[%add3A, %dma_wait3A_391, %dma_wait3A_396, %dma_wait3A_397] : memref<32x8x64x128xf32, #tpu.memory_space<hbm>> -> memref<1x1x64x128xf32, #tpu.memory_space<hbm>>
    %dma_wait3A_399 = tpu.memref_squeeze %dma_wait3A_398 : memref<1x1x64x128xf32, #tpu.memory_space<hbm>> -> memref<64x128xf32, #tpu.memory_space<hbm>>
    %dma_wait3A_400 = arith.constant 0 : i32
    %dma_wait3A_401 = arith.constant 0 : i32
    %dma_wait3A_402 = tpu.memref_slice %arg4[%add3A, %dma_wait3A_391, %dma_wait3A_400, %dma_wait3A_401] : memref<32x8x64x128xf32, #tpu.memory_space<hbm>> -> memref<1x1x64x128xf32, #tpu.memory_space<hbm>>
    %dma_wait3A_403 = tpu.memref_squeeze %dma_wait3A_402 : memref<1x1x64x128xf32, #tpu.memory_space<hbm>> -> memref<64x128xf32, #tpu.memory_space<hbm>>
    %dma_wait3A_404 = arith.constant 0 : i32
    %dma_wait3A_405 = arith.constant 0 : i32
    %dma_wait3A_406 = tpu.memref_slice %arg6[%dma_wait3A_390, %dma_wait3A_404, %dma_wait3A_405] : memref<8x64x128xf32, #tpu.memory_space<vmem>> -> memref<1x64x128xf32, #tpu.memory_space<vmem>>
    %dma_wait3A_407 = tpu.memref_squeeze %dma_wait3A_406 : memref<1x64x128xf32, #tpu.memory_space<vmem>> -> memref<64x128xf32, #tpu.memory_space<vmem>>
    tpu.wait_dma2 semaphore(%arg16 : memref<!tpu.dma_semaphore, #tpu.memory_space<semaphore_mem>>) src(%dma_wait3A_407 : memref<64x128xf32, #tpu.memory_space<vmem>>) dst(%dma_wait3A_403 : memref<64x128xf32, #tpu.memory_space<hbm>>)
    %dma_wait3A_408 = arith.constant 2 : i32
    %dma_wait3A_409 = arith.constant 2 : i32
    %dma_wait3A_410 = arith.constant 0 : i32
    %dma_wait3A_411 = arith.constant 0 : i32
    %dma_wait3A_412 = tpu.memref_slice %arg6[%dma_wait3A_408, %dma_wait3A_410, %dma_wait3A_411] : memref<8x64x128xf32, #tpu.memory_space<vmem>> -> memref<1x64x128xf32, #tpu.memory_space<vmem>>
    %dma_wait3A_413 = tpu.memref_squeeze %dma_wait3A_412 : memref<1x64x128xf32, #tpu.memory_space<vmem>> -> memref<64x128xf32, #tpu.memory_space<vmem>>
    %dma_wait3A_414 = arith.constant 0 : i32
    %dma_wait3A_415 = arith.constant 0 : i32
    %dma_wait3A_416 = tpu.memref_slice %arg4[%add3A, %dma_wait3A_409, %dma_wait3A_414, %dma_wait3A_415] : memref<32x8x64x128xf32, #tpu.memory_space<hbm>> -> memref<1x1x64x128xf32, #tpu.memory_space<hbm>>
    %dma_wait3A_417 = tpu.memref_squeeze %dma_wait3A_416 : memref<1x1x64x128xf32, #tpu.memory_space<hbm>> -> memref<64x128xf32, #tpu.memory_space<hbm>>
    %dma_wait3A_418 = arith.constant 0 : i32
    %dma_wait3A_419 = arith.constant 0 : i32
    %dma_wait3A_420 = tpu.memref_slice %arg4[%add3A, %dma_wait3A_409, %dma_wait3A_418, %dma_wait3A_419] : memref<32x8x64x128xf32, #tpu.memory_space<hbm>> -> memref<1x1x64x128xf32, #tpu.memory_space<hbm>>
    %dma_wait3A_421 = tpu.memref_squeeze %dma_wait3A_420 : memref<1x1x64x128xf32, #tpu.memory_space<hbm>> -> memref<64x128xf32, #tpu.memory_space<hbm>>
    %dma_wait3A_422 = arith.constant 0 : i32
    %dma_wait3A_423 = arith.constant 0 : i32
    %dma_wait3A_424 = tpu.memref_slice %arg6[%dma_wait3A_408, %dma_wait3A_422, %dma_wait3A_423] : memref<8x64x128xf32, #tpu.memory_space<vmem>> -> memref<1x64x128xf32, #tpu.memory_space<vmem>>
    %dma_wait3A_425 = tpu.memref_squeeze %dma_wait3A_424 : memref<1x64x128xf32, #tpu.memory_space<vmem>> -> memref<64x128xf32, #tpu.memory_space<vmem>>
    tpu.wait_dma2 semaphore(%arg16 : memref<!tpu.dma_semaphore, #tpu.memory_space<semaphore_mem>>) src(%dma_wait3A_425 : memref<64x128xf32, #tpu.memory_space<vmem>>) dst(%dma_wait3A_421 : memref<64x128xf32, #tpu.memory_space<hbm>>)
    %dma_wait3A_426 = arith.constant 3 : i32
    %dma_wait3A_427 = arith.constant 3 : i32
    %dma_wait3A_428 = arith.constant 0 : i32
    %dma_wait3A_429 = arith.constant 0 : i32
    %dma_wait3A_430 = tpu.memref_slice %arg6[%dma_wait3A_426, %dma_wait3A_428, %dma_wait3A_429] : memref<8x64x128xf32, #tpu.memory_space<vmem>> -> memref<1x64x128xf32, #tpu.memory_space<vmem>>
    %dma_wait3A_431 = tpu.memref_squeeze %dma_wait3A_430 : memref<1x64x128xf32, #tpu.memory_space<vmem>> -> memref<64x128xf32, #tpu.memory_space<vmem>>
    %dma_wait3A_432 = arith.constant 0 : i32
    %dma_wait3A_433 = arith.constant 0 : i32
    %dma_wait3A_434 = tpu.memref_slice %arg4[%add3A, %dma_wait3A_427, %dma_wait3A_432, %dma_wait3A_433] : memref<32x8x64x128xf32, #tpu.memory_space<hbm>> -> memref<1x1x64x128xf32, #tpu.memory_space<hbm>>
    %dma_wait3A_435 = tpu.memref_squeeze %dma_wait3A_434 : memref<1x1x64x128xf32, #tpu.memory_space<hbm>> -> memref<64x128xf32, #tpu.memory_space<hbm>>
    %dma_wait3A_436 = arith.constant 0 : i32
    %dma_wait3A_437 = arith.constant 0 : i32
    %dma_wait3A_438 = tpu.memref_slice %arg4[%add3A, %dma_wait3A_427, %dma_wait3A_436, %dma_wait3A_437] : memref<32x8x64x128xf32, #tpu.memory_space<hbm>> -> memref<1x1x64x128xf32, #tpu.memory_space<hbm>>
    %dma_wait3A_439 = tpu.memref_squeeze %dma_wait3A_438 : memref<1x1x64x128xf32, #tpu.memory_space<hbm>> -> memref<64x128xf32, #tpu.memory_space<hbm>>
    %dma_wait3A_440 = arith.constant 0 : i32
    %dma_wait3A_441 = arith.constant 0 : i32
    %dma_wait3A_442 = tpu.memref_slice %arg6[%dma_wait3A_426, %dma_wait3A_440, %dma_wait3A_441] : memref<8x64x128xf32, #tpu.memory_space<vmem>> -> memref<1x64x128xf32, #tpu.memory_space<vmem>>
    %dma_wait3A_443 = tpu.memref_squeeze %dma_wait3A_442 : memref<1x64x128xf32, #tpu.memory_space<vmem>> -> memref<64x128xf32, #tpu.memory_space<vmem>>
    tpu.wait_dma2 semaphore(%arg16 : memref<!tpu.dma_semaphore, #tpu.memory_space<semaphore_mem>>) src(%dma_wait3A_443 : memref<64x128xf32, #tpu.memory_space<vmem>>) dst(%dma_wait3A_439 : memref<64x128xf32, #tpu.memory_space<hbm>>)
    %dma_wait3A_444 = arith.constant 4 : i32
    %dma_wait3A_445 = arith.constant 4 : i32
    %dma_wait3A_446 = arith.constant 0 : i32
    %dma_wait3A_447 = arith.constant 0 : i32
    %dma_wait3A_448 = tpu.memref_slice %arg6[%dma_wait3A_444, %dma_wait3A_446, %dma_wait3A_447] : memref<8x64x128xf32, #tpu.memory_space<vmem>> -> memref<1x64x128xf32, #tpu.memory_space<vmem>>
    %dma_wait3A_449 = tpu.memref_squeeze %dma_wait3A_448 : memref<1x64x128xf32, #tpu.memory_space<vmem>> -> memref<64x128xf32, #tpu.memory_space<vmem>>
    %dma_wait3A_450 = arith.constant 0 : i32
    %dma_wait3A_451 = arith.constant 0 : i32
    %dma_wait3A_452 = tpu.memref_slice %arg4[%add3A, %dma_wait3A_445, %dma_wait3A_450, %dma_wait3A_451] : memref<32x8x64x128xf32, #tpu.memory_space<hbm>> -> memref<1x1x64x128xf32, #tpu.memory_space<hbm>>
    %dma_wait3A_453 = tpu.memref_squeeze %dma_wait3A_452 : memref<1x1x64x128xf32, #tpu.memory_space<hbm>> -> memref<64x128xf32, #tpu.memory_space<hbm>>
    %dma_wait3A_454 = arith.constant 0 : i32
    %dma_wait3A_455 = arith.constant 0 : i32
    %dma_wait3A_456 = tpu.memref_slice %arg4[%add3A, %dma_wait3A_445, %dma_wait3A_454, %dma_wait3A_455] : memref<32x8x64x128xf32, #tpu.memory_space<hbm>> -> memref<1x1x64x128xf32, #tpu.memory_space<hbm>>
    %dma_wait3A_457 = tpu.memref_squeeze %dma_wait3A_456 : memref<1x1x64x128xf32, #tpu.memory_space<hbm>> -> memref<64x128xf32, #tpu.memory_space<hbm>>
    %dma_wait3A_458 = arith.constant 0 : i32
    %dma_wait3A_459 = arith.constant 0 : i32
    %dma_wait3A_460 = tpu.memref_slice %arg6[%dma_wait3A_444, %dma_wait3A_458, %dma_wait3A_459] : memref<8x64x128xf32, #tpu.memory_space<vmem>> -> memref<1x64x128xf32, #tpu.memory_space<vmem>>
    %dma_wait3A_461 = tpu.memref_squeeze %dma_wait3A_460 : memref<1x64x128xf32, #tpu.memory_space<vmem>> -> memref<64x128xf32, #tpu.memory_space<vmem>>
    tpu.wait_dma2 semaphore(%arg16 : memref<!tpu.dma_semaphore, #tpu.memory_space<semaphore_mem>>) src(%dma_wait3A_461 : memref<64x128xf32, #tpu.memory_space<vmem>>) dst(%dma_wait3A_457 : memref<64x128xf32, #tpu.memory_space<hbm>>)
    %dma_wait3A_462 = arith.constant 5 : i32
    %dma_wait3A_463 = arith.constant 5 : i32
    %dma_wait3A_464 = arith.constant 0 : i32
    %dma_wait3A_465 = arith.constant 0 : i32
    %dma_wait3A_466 = tpu.memref_slice %arg6[%dma_wait3A_462, %dma_wait3A_464, %dma_wait3A_465] : memref<8x64x128xf32, #tpu.memory_space<vmem>> -> memref<1x64x128xf32, #tpu.memory_space<vmem>>
    %dma_wait3A_467 = tpu.memref_squeeze %dma_wait3A_466 : memref<1x64x128xf32, #tpu.memory_space<vmem>> -> memref<64x128xf32, #tpu.memory_space<vmem>>
    %dma_wait3A_468 = arith.constant 0 : i32
    %dma_wait3A_469 = arith.constant 0 : i32
    %dma_wait3A_470 = tpu.memref_slice %arg4[%add3A, %dma_wait3A_463, %dma_wait3A_468, %dma_wait3A_469] : memref<32x8x64x128xf32, #tpu.memory_space<hbm>> -> memref<1x1x64x128xf32, #tpu.memory_space<hbm>>
    %dma_wait3A_471 = tpu.memref_squeeze %dma_wait3A_470 : memref<1x1x64x128xf32, #tpu.memory_space<hbm>> -> memref<64x128xf32, #tpu.memory_space<hbm>>
    %dma_wait3A_472 = arith.constant 0 : i32
    %dma_wait3A_473 = arith.constant 0 : i32
    %dma_wait3A_474 = tpu.memref_slice %arg4[%add3A, %dma_wait3A_463, %dma_wait3A_472, %dma_wait3A_473] : memref<32x8x64x128xf32, #tpu.memory_space<hbm>> -> memref<1x1x64x128xf32, #tpu.memory_space<hbm>>
    %dma_wait3A_475 = tpu.memref_squeeze %dma_wait3A_474 : memref<1x1x64x128xf32, #tpu.memory_space<hbm>> -> memref<64x128xf32, #tpu.memory_space<hbm>>
    %dma_wait3A_476 = arith.constant 0 : i32
    %dma_wait3A_477 = arith.constant 0 : i32
    %dma_wait3A_478 = tpu.memref_slice %arg6[%dma_wait3A_462, %dma_wait3A_476, %dma_wait3A_477] : memref<8x64x128xf32, #tpu.memory_space<vmem>> -> memref<1x64x128xf32, #tpu.memory_space<vmem>>
    %dma_wait3A_479 = tpu.memref_squeeze %dma_wait3A_478 : memref<1x64x128xf32, #tpu.memory_space<vmem>> -> memref<64x128xf32, #tpu.memory_space<vmem>>
    tpu.wait_dma2 semaphore(%arg16 : memref<!tpu.dma_semaphore, #tpu.memory_space<semaphore_mem>>) src(%dma_wait3A_479 : memref<64x128xf32, #tpu.memory_space<vmem>>) dst(%dma_wait3A_475 : memref<64x128xf32, #tpu.memory_space<hbm>>)
    %dma_wait3A_480 = arith.constant 6 : i32
    %dma_wait3A_481 = arith.constant 6 : i32
    %dma_wait3A_482 = arith.constant 0 : i32
    %dma_wait3A_483 = arith.constant 0 : i32
    %dma_wait3A_484 = tpu.memref_slice %arg6[%dma_wait3A_480, %dma_wait3A_482, %dma_wait3A_483] : memref<8x64x128xf32, #tpu.memory_space<vmem>> -> memref<1x64x128xf32, #tpu.memory_space<vmem>>
    %dma_wait3A_485 = tpu.memref_squeeze %dma_wait3A_484 : memref<1x64x128xf32, #tpu.memory_space<vmem>> -> memref<64x128xf32, #tpu.memory_space<vmem>>
    %dma_wait3A_486 = arith.constant 0 : i32
    %dma_wait3A_487 = arith.constant 0 : i32
    %dma_wait3A_488 = tpu.memref_slice %arg4[%add3A, %dma_wait3A_481, %dma_wait3A_486, %dma_wait3A_487] : memref<32x8x64x128xf32, #tpu.memory_space<hbm>> -> memref<1x1x64x128xf32, #tpu.memory_space<hbm>>
    %dma_wait3A_489 = tpu.memref_squeeze %dma_wait3A_488 : memref<1x1x64x128xf32, #tpu.memory_space<hbm>> -> memref<64x128xf32, #tpu.memory_space<hbm>>
    %dma_wait3A_490 = arith.constant 0 : i32
    %dma_wait3A_491 = arith.constant 0 : i32
    %dma_wait3A_492 = tpu.memref_slice %arg4[%add3A, %dma_wait3A_481, %dma_wait3A_490, %dma_wait3A_491] : memref<32x8x64x128xf32, #tpu.memory_space<hbm>> -> memref<1x1x64x128xf32, #tpu.memory_space<hbm>>
    %dma_wait3A_493 = tpu.memref_squeeze %dma_wait3A_492 : memref<1x1x64x128xf32, #tpu.memory_space<hbm>> -> memref<64x128xf32, #tpu.memory_space<hbm>>
    %dma_wait3A_494 = arith.constant 0 : i32
    %dma_wait3A_495 = arith.constant 0 : i32
    %dma_wait3A_496 = tpu.memref_slice %arg6[%dma_wait3A_480, %dma_wait3A_494, %dma_wait3A_495] : memref<8x64x128xf32, #tpu.memory_space<vmem>> -> memref<1x64x128xf32, #tpu.memory_space<vmem>>
    %dma_wait3A_497 = tpu.memref_squeeze %dma_wait3A_496 : memref<1x64x128xf32, #tpu.memory_space<vmem>> -> memref<64x128xf32, #tpu.memory_space<vmem>>
    tpu.wait_dma2 semaphore(%arg16 : memref<!tpu.dma_semaphore, #tpu.memory_space<semaphore_mem>>) src(%dma_wait3A_497 : memref<64x128xf32, #tpu.memory_space<vmem>>) dst(%dma_wait3A_493 : memref<64x128xf32, #tpu.memory_space<hbm>>)
    %dma_wait3A_498 = arith.constant 7 : i32
    %dma_wait3A_499 = arith.constant 7 : i32
    %dma_wait3A_500 = arith.constant 0 : i32
    %dma_wait3A_501 = arith.constant 0 : i32
    %dma_wait3A_502 = tpu.memref_slice %arg6[%dma_wait3A_498, %dma_wait3A_500, %dma_wait3A_501] : memref<8x64x128xf32, #tpu.memory_space<vmem>> -> memref<1x64x128xf32, #tpu.memory_space<vmem>>
    %dma_wait3A_503 = tpu.memref_squeeze %dma_wait3A_502 : memref<1x64x128xf32, #tpu.memory_space<vmem>> -> memref<64x128xf32, #tpu.memory_space<vmem>>
    %dma_wait3A_504 = arith.constant 0 : i32
    %dma_wait3A_505 = arith.constant 0 : i32
    %dma_wait3A_506 = tpu.memref_slice %arg4[%add3A, %dma_wait3A_499, %dma_wait3A_504, %dma_wait3A_505] : memref<32x8x64x128xf32, #tpu.memory_space<hbm>> -> memref<1x1x64x128xf32, #tpu.memory_space<hbm>>
    %dma_wait3A_507 = tpu.memref_squeeze %dma_wait3A_506 : memref<1x1x64x128xf32, #tpu.memory_space<hbm>> -> memref<64x128xf32, #tpu.memory_space<hbm>>
    %dma_wait3A_508 = arith.constant 0 : i32
    %dma_wait3A_509 = arith.constant 0 : i32
    %dma_wait3A_510 = tpu.memref_slice %arg4[%add3A, %dma_wait3A_499, %dma_wait3A_508, %dma_wait3A_509] : memref<32x8x64x128xf32, #tpu.memory_space<hbm>> -> memref<1x1x64x128xf32, #tpu.memory_space<hbm>>
    %dma_wait3A_511 = tpu.memref_squeeze %dma_wait3A_510 : memref<1x1x64x128xf32, #tpu.memory_space<hbm>> -> memref<64x128xf32, #tpu.memory_space<hbm>>
    %dma_wait3A_512 = arith.constant 0 : i32
    %dma_wait3A_513 = arith.constant 0 : i32
    %dma_wait3A_514 = tpu.memref_slice %arg6[%dma_wait3A_498, %dma_wait3A_512, %dma_wait3A_513] : memref<8x64x128xf32, #tpu.memory_space<vmem>> -> memref<1x64x128xf32, #tpu.memory_space<vmem>>
    %dma_wait3A_515 = tpu.memref_squeeze %dma_wait3A_514 : memref<1x64x128xf32, #tpu.memory_space<vmem>> -> memref<64x128xf32, #tpu.memory_space<vmem>>
    tpu.wait_dma2 semaphore(%arg16 : memref<!tpu.dma_semaphore, #tpu.memory_space<semaphore_mem>>) src(%dma_wait3A_515 : memref<64x128xf32, #tpu.memory_space<vmem>>) dst(%dma_wait3A_511 : memref<64x128xf32, #tpu.memory_space<hbm>>)
    return
  }
}

</mosaic_0001>

<sc_bundles>
// kernel: kernel.3.cloned.1.call-start
scs
__scs_entry_jumppad:
0x0: {  	(pc) =	sbr.rel $0x88, $3  }
0x1: {  	(tag) =	ssettag $0x0;
	lr =	simm.s32 $0x1  }
0x2: {  	[smem:$0x3F9F] =	sst lr;
	_ =	strace $0xD0000000  }
0x3: {  	_ = 	snop  }
0x4: {  	_ = 	snop  }
0x5: {  	_ = 	snop  }
0x6: {  	_ = 	snop  }
0x7: {  	_ = 	snop  }
__scs_overlays_trampoline_lowered:
0x8: {  	[smem:$0x3FAE] =	sst s0  }
0x9: {  	[smem:$0x3FAF] =	sst s1  }
0xa: {  	[smem:$0x3FB0] =	sst s2  }
0xb: {  	[smem:$0x3FB1] =	sst s3  }
0xc: {  	[smem:$0x3FB2] =	sst s4  }
0xd: {  	[smem:$0x3FB3] =	sst s5  }
0xe: {  	[smem:$0x3FB4] =	sst s6  }
0xf: {  	[smem:$0x3FB5] =	sst s7  }
0x10: {  	[smem:$0x3FB6] =	sst s8  }
0x11: {  	[smem:$0x3FB7] =	sst s9;
	s0 =	simm.s32 @!p0 $0x0  }
0x12: {  	s1 =	sld [smem:$0x3F9D];
	s0 =	simm.s32 @p0 $0x1  }
0x13: {  	[smem:$0x3FB8] =	sst s0;
	s0 =	simm.s32 @!p1 $0x0  }
0x14: {  	s2 =	sld [smem:$0x3F9C];
	s0 =	simm.s32 @p1 $0x1  }
0x15: {  	[smem:$0x3FB9] =	sst s0;
	s0 =	simm.s32 @!p2 $0x0  }
0x16: {  	s3 =	sld [smem:$0x3FDB];
	s0 =	simm.s32 @p2 $0x1  }
0x17: {  	s4 =	simm.s32 $0x1BF5;
	[smem:$0x3FBB] =	sst s0  }
0x18: {  	s0 =	sld [smem:$0x3F9E];
	_ =	swait.ge [sflag:s4], $0x0  }
0x19: {  	s7 =	sld [smem:$0x3F9F]  }
0x1a: {  	s8 =	sadd.s32 $0xFFFFE003, lr  }
0x1b: {  	s9 =	sadd.s32 $0xFFFFFEF7, lr;
	s5 =	simm.s32 $0xFFFFFFFF;
	p2 =	slt.u32 s8, $0xFFFFF086  }
0x1c: {  	p1 =	slt.u32 s9, $0xF7A;
	s5 =	simm.s32 @!p2 $0x0  }
0x1d: {  	s5 =	simm.s32 @p1 $0x1;
	p0 =	seq.s32 s7, s2  }
0x1e: {  	s7 =	smul.u32 @!p0 $0xF7A, s2;
	p2 =	seq.s32 @!p0 s5, $0x0  }
0x1f: {  	s9 =	smul.u32 $0xF7A, s1;
	s8 =	simm.s32 @!p0 $0x1BF5;
	p2 =	por !p2, p0  }
0x20: {  	[sflag:s8] =	ssyncset.s32 @!p0 $0xFFFFF086;
	s6 =	sadd.s32 @!p0 s3, s7;
	s7 =	simm.s32 @!p0 $0x108  }
0x21: {  	s3 =	sadd.s32 s3, s9;
	s6 =	sadd.s32 @!p0 $0x88, s6;
	s7 =	simm.s32 @p2 $0x1082  }
0x22: {  	[simem:s7], [sflag:s8] =	dma.local @!p0 [hbm:s6], $0xF7A  }
0x23: {  	s9 =	sor.u32 $0xD0000000, s2;
	s6 =	simm.s32 $0x108;
	_ =	swait.ge @!p0 [sflag:s8], $0x0  }
0x24: {  	s3 =	sadd.s32 $0x88, s3;
	s6 =	simm.s32 @!p1 $0x1082;
	[sflag:s4] =	ssyncset.s32 $0xFFFFF086  }
0x25: {  	[simem:s6], [sflag:s4] =	dma.local [hbm:s3], $0xF7A  }
0x26: {  	[smem:$0x3F9F] =	sst s1;
	(tag) =	ssettag s2;
	_ =	strace s9  }
0x27: {  	s1 =	sld [smem:$0x3FAF]  }
0x28: {  	s2 =	sld [smem:$0x3FB0]  }
0x29: {  	s4 =	sld [smem:$0x3FB2]  }
0x2a: {  	p0 =	seq.s32 s5, $0x0;
	s5 =	sld [smem:$0x3FB3]  }
0x2b: {  	s6 =	sld [smem:$0x3FB4]  }
0x2c: {  	s7 =	sld [smem:$0x3FB5]  }
0x2d: {  	s3 =	simm.s32 $0x108;
	s8 =	sld [smem:$0x3FB6]  }
0x2e: {  	s3 =	simm.s32 @!p0 $0x1082;
	s9 =	sld [smem:$0x3FB7]  }
0x2f: {  	lr =	sadd.s32 s0, s3;
	s0 =	sld [smem:$0x3FAE]  }
0x30: {  	s3 =	sld [smem:$0x3FB1]  }
0x31: {  	[smem:$0x3FBA] =	sst s10  }
0x32: {  	s10 =	sld [smem:$0x3FB8];
	_ =	sdelay $0x3  }
0x33: {  	p0 =	seq.s32 s10, $0x1;
	s10 =	sld [smem:$0x3FBA];
	_ =	sdelay $0x3  }
0x34: {  	[smem:$0x3FBA] =	sst s10  }
0x35: {  	s10 =	sld [smem:$0x3FB9];
	_ =	sdelay $0x3  }
0x36: {  	p1 =	seq.s32 s10, $0x1;
	s10 =	sld [smem:$0x3FBA];
	_ =	sdelay $0x3  }
0x37: {  	[smem:$0x3FBA] =	sst s10  }
0x38: {  	s10 =	sld [smem:$0x3FBB]  }
0x39: {  	_ = 	snop;
	(pc) =	sbr.ind lr, $3  }
0x3a: {  	_ = 	snop  }
0x3b: {  	_ = 	snop  }
0x3c: {  	p2 =	seq.s32 s10, $0x1;
	s10 =	sld [smem:$0x3FBA]  }
0x3d: {  	_ =	shalt  }
0x3e: {  	_ =	shalt  }
0x3f: {  	_ =	shalt  }
0x40: {  	_ =	shalt  }
0x41: {  	_ =	shalt  }
0x42: {  	_ =	shalt  }
0x43: {  	_ =	shalt  }
0x44: {  	_ =	shalt  }
0x45: {  	_ =	shalt  }
0x46: {  	_ =	shalt  }
0x47: {  	_ =	shalt  }
0x48: {  	_ =	shalt  }
0x49: {  	_ =	shalt  }
0x4a: {  	_ =	shalt  }
0x4b: {  	_ =	shalt  }
0x4c: {  	_ =	shalt  }
0x4d: {  	_ =	shalt  }
0x4e: {  	_ =	shalt  }
0x4f: {  	_ =	shalt  }
0x50: {  	_ =	shalt  }
0x51: {  	_ =	shalt  }
0x52: {  	_ =	shalt  }
0x53: {  	_ =	shalt  }
0x54: {  	_ =	shalt  }
0x55: {  	_ =	shalt  }
0x56: {  	_ =	shalt  }
0x57: {  	_ =	shalt  }
0x58: {  	_ =	shalt  }
0x59: {  	_ =	shalt  }
0x5a: {  	_ =	shalt  }
0x5b: {  	_ =	shalt  }
0x5c: {  	_ =	shalt  }
0x5d: {  	_ =	shalt  }
0x5e: {  	_ =	shalt  }
0x5f: {  	_ =	shalt  }
0x60: {  	_ =	shalt  }
0x61: {  	_ =	shalt  }
0x62: {  	_ =	shalt  }
0x63: {  	_ =	shalt  }
0x64: {  	_ =	shalt  }
0x65: {  	_ =	shalt  }
0x66: {  	_ =	shalt  }
0x67: {  	_ =	shalt  }
0x68: {  	_ =	shalt  }
0x69: {  	_ =	shalt  }
0x6a: {  	_ =	shalt  }
0x6b: {  	_ =	shalt  }
0x6c: {  	_ =	shalt  }
0x6d: {  	_ =	shalt  }
0x6e: {  	_ =	shalt  }
0x6f: {  	_ =	shalt  }
0x70: {  	_ =	shalt  }
0x71: {  	_ =	shalt  }
0x72: {  	_ =	shalt  }
0x73: {  	_ =	shalt  }
0x74: {  	_ =	shalt  }
0x75: {  	_ =	shalt  }
0x76: {  	_ =	shalt  }
0x77: {  	_ =	shalt  }
0x78: {  	_ =	shalt  }
0x79: {  	_ =	shalt  }
0x7a: {  	_ =	shalt  }
0x7b: {  	_ =	shalt  }
0x7c: {  	_ =	shalt  }
0x7d: {  	_ =	shalt  }
0x7e: {  	_ =	shalt  }
0x7f: {  	_ =	shalt  }
0x80: {  	_ =	shalt  }
0x81: {  	_ =	shalt  }
0x82: {  	_ =	shalt  }
0x83: {  	_ =	shalt  }
0x84: {  	_ =	shalt  }
0x85: {  	_ =	shalt  }
0x86: {  	_ =	shalt  }
0x87: {  	_ =	shalt  }
.Lfunc_end0:
.L_simem_size_0:
called_computation_lowered:
.L_overlay_start_0:
0x88: {  	s2 =	sld [smem:$0x3FD9]  }
0x89: {  	s3 =	sld [smem:$0x3FFE];
	_ =	sdelay $0x1  }
0x8a: {  	s1 =	srdreg.scid  }
0x8b: {  	s0 =	sand.u32 $0x1, s1  }
0x8c: {  	s17 =	sshll.u32 s0, $0xA;
	s2 =	sadd.s32 s3, s2  }
0x8d: {  	s2 =	sadd.s32 s2, s17  }
0x8e: {  	[smem:$0x3FC6] =	sst s2  }
0x8f: {  	_ = 	snop  }
0x90: {  	s2 =	sld [smem:$0x3FC8]  }
0x91: {  	s18 =	sld [smem:$0x3FD0];
	(tm) =	ssettm $0x1  }
0x92: {  	s4 =	sld [smem:$0x3FFB];
	_ =	sdelay $0x3  }
0x93: {  	_ =	strace s4  }
0x94: {  	s4 =	sld [smem:$0x3FFC];
	_ =	sdelay $0x3  }
0x95: {  	_ =	strace s4  }
0x96: {  	s4 =	sld [smem:$0x3FFD];
	_ =	sdelay $0x3  }
0x97: {  	_ =	strace s4  }
0x98: {  	_ =	strace $0x8FFFFFFF  }
0x99: {  	s19 =	sld [smem:$0x3FDB];
	_ =	sdelay $0x1  }
0x9a: {  	s5 =	simm.s32 $_scs_section_size  }
0x9b: {  	s6 =	simm.s32 $_size__tile_overlayer_lowered;
	s7 =	simm.s32 $_tile_overlayer_lowered  }
0x9c: {  	s22 =	simm.s32 $0x1BFF;
	s21 =	sshll.u32 s7, $0x1;
	s4 =	sadd.s32 s5, s19  }
0x9d: {  	s8 =	simm.s32 $0x0;
	s20 =	sshll.u32 s6, $0x1;
	s6 =	sadd.s32 s21, s4  }
0x9e: {  	[timem:s8], [sflag:s22] =	dma.local [hbm:s6], s20  }
0x9f: {  	_ =	swait.ge [sflag:s22], s20  }
0xa0: {  	s5 =	ssub.s32 $0x0, s20;
	[sflag:s22] =	ssyncset.done $0x0  }
0xa1: {  	[sflag:s22] =	ssyncadd.s32 s5;
	_ =	sdelay $0x1  }
0xa2: {  	s23 =	simm.s32 $0x1B8B  }
0xa3: {  	_ =	swait.ge [sflag:s23], $0x1  }
0xa4: {  	[sflag:s23] =	ssyncset.done $0x0  }
0xa5: {  	s25 =	simm.s32 $0x1B8E;
	s24 =	sld [smem:$0x3FFE];
	[sflag:s23] =	ssyncadd.s32 $0xFFFFFFFF  }
0xa6: {  	s26 =	simm.s32 $execute0_lowered;
	[smem:$0x3FD2] =	sst s25  }
0xa7: {  	s6 =	sshll.u32 s26, $0x1;
	_ =	strace $0x80000046;
	[dreg:$0x1] =	wrdreg $0xFFFFFFFF  }
0xa8: {  	s28 =	simm.s32 $_size_execute0_lowered;
	s4 =	sadd.s32 s4, s6;
	[dreg:$0x0] =	wrdreg $0x0  }
0xa9: {  	s6 =	sshll.u32 s28, $0x1;
	[dreg:$0x2] =	wrdreg s4  }
0xaa: {  	[dreg:$0x3] =	wrdreg s6  }
0xab: {  	[dreg:$0x4] =	wrdreg $0xC0  }
0xac: {  	_ =	task [dreg:s8], $0x5FFFF  }
0xad: {  	[dreg:$0x1] =	wrdreg $0xFFFFFFFF  }
0xae: {  	[dreg:$0x0] =	wrdreg $0x60  }
0xaf: {  	[dreg:$0x2] =	wrdreg s2  }
0xb0: {  	[dreg:$0x3] =	wrdreg s24  }
0xb1: {  	[dreg:$0x4] =	wrdreg s18  }
0xb2: {  	[dreg:$0x5] =	wrdreg $0x104000  }
0xb3: {  	[dreg:$0x6] =	wrdreg $0x9  }
0xb4: {  	_ =	task.clear_ibuf [dreg:s8], $0x7FFFF;
	_ =	strace $0x90000046  }
0xb5: {  	s29 =	simm.s32 $0x9;
	_ =	strace $0x80000048  }
0xb6: {  	_ =	swait.ge [sflag:s29], $0x1  }
0xb7: {  	[sflag:s29] =	ssyncadd.s32 $0xFFFFFFFF  }
0xb8: {  	_ =	strace $0x90000048  }
0xb9: {  	_ =	sfence  }
0xba: {  	s30 =	sld [smem:$0x0];
	_ =	sdelay $0x2  }
0xbb: {  	s31 =	sshll.u32 s1, $0xD;
	s1 =	sshrl.u32 s1, $0x2  }
0xbc: {  	s3 =	sand.u32 $0x4000, s31;
	s1 =	sadd.s32 s1, s30  }
0xbd: {  	s0 =	sor.u32 s3, s0;
	s1 =	sshll.u32 s1, $0x11  }
0xbe: {  	s0 =	sor.u32 s1, s0  }
0xbf: {  	s0 =	sadd.s32 $0x8F2B, s0  }
0xc0: {  	[sflag:s0] =	ssyncadd.remote.s32 $0x1  }
0xc1: {  	_ =	sfence.sel $0xFFFF  }
0xc2: {  	[dreg:$0x0] =	wrdreg $0xFFFFFFFF;
	(pc) =	sbr.abs _section_cstart, $3  }
0xc3: {  	[dreg:$0x1] =	wrdreg $0xFFFFFFFF  }
0xc4: {  	_ =	task.clear_ibuf [dreg:s8], $0x2FFFF;
	_ =	strace $0x9FFFFFFF  }
0xc5: {  	(tm) =	ssettm $0x7FFFFFFF  }
tec
execute0_lowered:
.L_overlay_start_1:
0x0: {  	(tag) =	ssettag $0x1  }
0x1: {  	s12 =	stileid.u32  }
0x2: {  	s13 =	rddreg [dreg:$0x0];
	p3 =	sgt.s32 s12, $0x1  }
0x3: {  	s19 =	rddreg [dreg:$0x1];
	p0 =	seq.s32 @p3 s12, $0x2  }
0x4: {  	s20 =	rddreg [dreg:$0x2];
	p1 =	por p0, !p3  }
0x5: {  	s2 =	srdreg.scid;
	p2 =	por !p0, !p3;
	p1 =	seq.s32 @!p1 s12, $0x3  }
0x6: {  	s3 =	rddreg [dreg:$0x3];
	s0 =	simm.s32 @!p2 $0x0;
	p0 =	por @p3 !p1, p0  }
0x7: {  	s4 =	simm.s32 $0x0;
	s0 =	simm.s32 @p2 $0x1;
	p0 =	por p0, !p3  }
0x8: {  	s30 =	simm.s32 $0xA;
	[smem:$0x7FB] =	sst s0;
	s0 =	simm.s32 @!p0 $0x0  }
0x9: {  	s31 =	simm.s32 $0x40;
	s0 =	simm.s32 @p0 $0x1;
	p0 =	sgt.s32 s12, $0x5  }
0xa: {  	s2 =	sand.u32 $0x1, s2;
	s5 =	sshll.u32 s12, $0x1;
	p6 =	seq.s32 @!p0 s12, $0x4  }
0xb: {  	[smem:$0x7FF] =	sst s4;
	s7 =	sadd.s32 $0x3800, s13;
	p1 =	por p6, p0  }
0xc: {  	s8 =	sadd.s32 $0x3000, s13;
	p4 =	seq.s32 @!p3 s12, $0x0;
	s1 =	simm.s32 @!p1 $0x0  }
0xd: {  	s9 =	sadd.s32 $0x2800, s13;
	p2 =	por p4, p3;
	s1 =	simm.s32 @p1 $0x1  }
0xe: {  	p5 =	seq.s32 @!p2 s12, $0x1;
	p2 =	por !p4, p3;
	[smem:$0x7F9] =	sst s1  }
0xf: {  	p4 =	por @!p3 !p5, p4;
	p5 =	seq.s32 @p0 s12, $0x6;
	s1 =	sld [smem:$0x7F9]  }
0x10: {  	s10 =	sadd.s32 $0x2000, s13;
	p3 =	por p4, p3;
	p4 =	por p5, !p0  }
0x11: {  	s11 =	sadd.s32 $0x1800, s13;
	s14 =	sadd.s32 $0x1000, s13;
	p4 =	seq.s32 @!p4 s12, $0x7  }
0x12: {  	p1 =	por @p0 !p4, p5;
	p4 =	por !p5, !p0;
	p5 =	seq.s32 s1, $0x1  }
0x13: {  	s13 =	sadd.s32 $0x800, s13;
	s5 =	sor.u32 s2, s5;
	p5 =	seq.s32 @!p5 s12, $0x5  }
0x14: {  	s2 =	ssub.s32 $0x2, s2;
	s6 =	sshll.u32 s5, $0x7;
	s1 =	simm.s32 @!p5 $0x0  }
0x15: {  	s21 =	sshrl.u32 s2, $0x1;
	[smem:$0x7FC] =	sst s0;
	s1 =	simm.s32 @p5 $0x1  }
0x16: {  	s5 =	sshll.u32 s5, $0xD;
	s2 =	ssub.s32 s2, s21;
	[smem:$0x7FA] =	sst s1  }
0x17: {  	s21 =	simm.s32 $0xC400;
	s18 =	smax.u32 s2, $0x1;
	s1 =	sld [smem:$0x7FA]  }
0x18: {  	s2 =	simm.s32 $0x400;
	_ =	strace $0x80000047;
	[dreg:$0x5] =	wrdreg s7  }
0x19: {  	s0 =	sadd.s32 s6, s19;
	s6 =	sadd.s32 $0x1C000, s3;
	[dreg:$0x6] =	wrdreg s8  }
0x1a: {  	s19 =	sadd.s32 $0x4000, s3;
	s15 =	sadd.s32 $0x400, s0;
	[dreg:$0x7] =	wrdreg s9  }
0x1b: {  	p5 =	por p1, !p0;
	s7 =	sadd.s32 $0x18000, s3;
	[dreg:$0x8] =	wrdreg s10  }
0x1c: {  	s8 =	sadd.s32 $0x14000, s3;
	s9 =	sadd.s32 $0x10000, s3;
	[dreg:$0x9] =	wrdreg s11  }
0x1d: {  	s10 =	sadd.s32 $0xC000, s3;
	s11 =	sadd.s32 $0x8000, s3;
	[dreg:$0xa] =	wrdreg s14  }
0x1e: {  	[dreg:$0xb] =	wrdreg s13;
	s13 =	sadd.s32 s20, s5;
	s5 =	simm.s32 $0x4  }
0x1f: {  	s20 =	simm.s32 $0x8;
	s16 =	sadd.s32 $0x400, s13;
	s22 =	sld [smem:$0x7FB]  }
0x20: {  	s17 =	sadd.s32 $0x800, s13;
	s23 =	sld [smem:$0x7FC];
	s24 =	sadd.s32 $0x1400, s13  }
0x21: {  	s26 =	sadd.s32 $0xC00, s13;
	s25 =	sadd.s32 $0x1800, s13;
	[dreg:$0x13] =	wrdreg s24  }
0x22: {  	s28 =	sadd.s32 $0x1000, s13;
	s29 =	sadd.s32 $0x1C00, s13;
	[dreg:$0x14] =	wrdreg s25  }
0x23: {  	[dreg:$0x15] =	wrdreg s29;
	s24 =	simm.s32 $0x1;
	p1 =	seq.s32 s1, $0x1  }
0x24: {  	s25 =	simm.s32 $0x2;
	s1 =	simm.s32 $0x2400;
	p1 =	por @!p0 !p1, p6  }
0x25: {  	p6 =	por !p6, p0;
	p0 =	por p1, p0;
	p1 =	seq.s32 s22, $0x1  }
0x26: {  	s22 =	simm.s32 $0x9;
	s0 =	sshrl.u32 @!p1 s11, $0x3;
	p1 =	seq.s32 s23, $0x1  }
0x27: {  	s23 =	simm.s32 $0xE400;
	[dreg:$0xc] =	wrdreg s0;
	s0 =	sshrl.u32 @!p1 s10, $0x3  }
0x28: {  	s11 =	simm.s32 $0x7;
	[dreg:$0xd] =	wrdreg s0;
	s0 =	sshrl.u32 @!p3 s19, $0x3  }
0x29: {  	p1 =	sgt.s32 s12, $0x3;
	[dreg:$0xe] =	wrdreg s0;
	s0 =	sshrl.u32 @!p4 s7, $0x3  }
0x2a: {  	s10 =	simm.s32 $0x8400;
	[dreg:$0xf] =	wrdreg s0;
	s0 =	sshrl.u32 @!p5 s6, $0x3  }
.Ltmp0:
0x2b: {  	[dreg:$0x10] =	wrdreg s0;
	s0 =	sshrl.u32 @!p6 s9, $0x3;
	(pc) =	sbr.rel .LBB2_1-.Ltmp0, $4  }
0x2c: {  	s19 =	simm.s32 $0xA400;
	[dreg:$0x11] =	wrdreg s0;
	s0 =	sshrl.u32 @!p0 s8, $0x3  }
0x2d: {  	s7 =	simm.s32 $0x5;
	[dreg:$0x12] =	wrdreg s0;
	s0 =	simm.s32 @!p1 $0x0  }
0x2e: {  	s6 =	simm.s32 $0x4400;
	s9 =	simm.s32 $0x6;
	s0 =	simm.s32 @p1 $0x1  }
0x2f: {  	s8 =	simm.s32 $0x6400;
	[smem:$0x7FD] =	sst s0;
	s0 =	simm.s32 $0x3  }
.LBB2_3:
0x30: {  	s14 =	rddreg [dreg:$0x6]  }
0x31: {  	s12 =	simm.s32 @!p4 $0x1D8A;
	s29 =	rddreg [dreg:$0xf]  }
0x32: {  	[spmem:s29], [sflag:s12] =	dma.local @!p4 [hbm:s14], $0x800  }
0x33: {  	s12 =	simm.s32 @!p4 $0xA  }
0x34: {  	_ =	swait.ge @!p4 [sflag:s12], $0x800  }
0x35: {  	[sflag:s12] =	ssyncset.done @!p4 $0x0;
	s14 =	rddreg [dreg:$0x5]  }
0x36: {  	s29 =	rddreg [dreg:$0x10];
	[sflag:s12] =	ssyncadd.s32 @!p4 $0xFFFFF800;
	s12 =	simm.s32 @!p5 $0x1DCA  }
0x37: {  	[spmem:s29], [sflag:s12] =	dma.local @!p5 [hbm:s14], $0x680  }
0x38: {  	s12 =	simm.s32 @!p5 $0xA  }
0x39: {  	_ =	swait.ge @!p5 [sflag:s12], $0x680  }
0x3a: {  	[sflag:s12] =	ssyncset.done @!p5 $0x0;
	s14 =	rddreg [dreg:$0x8]  }
0x3b: {  	s29 =	rddreg [dreg:$0x11];
	[sflag:s12] =	ssyncadd.s32 @!p5 $0xFFFFF980;
	s12 =	simm.s32 @!p6 $0x1D0A  }
0x3c: {  	[spmem:s29], [sflag:s12] =	dma.local @!p6 [hbm:s14], $0x800  }
0x3d: {  	s12 =	simm.s32 @!p6 $0xA  }
0x3e: {  	_ =	swait.ge @!p6 [sflag:s12], $0x800  }
0x3f: {  	[sflag:s12] =	ssyncset.done @!p6 $0x0;
	s14 =	rddreg [dreg:$0x7]  }
0x40: {  	s29 =	rddreg [dreg:$0x12];
	[sflag:s12] =	ssyncadd.s32 @!p6 $0xFFFFF800;
	s12 =	simm.s32 @!p0 $0x1D4A  }
0x41: {  	[spmem:s29], [sflag:s12] =	dma.local @!p0 [hbm:s14], $0x800  }
0x42: {  	s12 =	simm.s32 @!p0 $0xA  }
0x43: {  	_ =	swait.ge @!p0 [sflag:s12], $0x800  }
0x44: {  	[sflag:s12] =	ssyncset.done @!p0 $0x0  }
0x45: {  	[sflag:s12] =	ssyncadd.s32 @!p0 $0xFFFFF800  }
.LBB2_4:
0x46: {  	[tilespmem:s4], [sflag:$0xA] =	stream.linear.gather [hbm4b:s15+s4], $0x400, $0x38;
	[tilespmem:$0x12340] =	vst v63  }
0x47: {  	_ =	swait.ge [sflag:s30], $0x400  }
0x48: {  	[sflag:s30] =	ssyncset.done $0x0  }
0x49: {  	[sflag:s30] =	ssyncadd.s32 $0xFFFFFC00  }
0x4a: {  	[bflag:$0x0] =	sbarrier.arrive $0xFFFF  }
0x4b: {  	[tilespmem:s2], [sflag:$0x1] =	stream.indirect.gather [spmem:s3], $0x80, s4, s31, $0xb8;
	[tilespmem:$0x12340] =	vst v63  }
0x4c: {  	s12 =	simm.s32 $0x80  }
0x4d: {  	[tilespmem:s1], [sflag:$0x2] =	stream.indirect.gather [spmem:s3], $0x80, s12, s31, $0xb8;
	[tilespmem:$0x12340] =	vst v63  }
0x4e: {  	s29 =	simm.s32 $0x100  }
0x4f: {  	[tilespmem:s6], [sflag:$0x3] =	stream.indirect.gather [spmem:s3], $0x80, s29, s31, $0xb8;
	[tilespmem:$0x12340] =	vst v63  }
0x50: {  	s14 =	simm.s32 $0x180  }
0x51: {  	[tilespmem:s8], [sflag:$0x4] =	stream.indirect.gather [spmem:s3], $0x80, s14, s31, $0xb8;
	[tilespmem:$0x12340] =	vst v63  }
0x52: {  	s29 =	simm.s32 $0x200  }
0x53: {  	[tilespmem:s10], [sflag:$0x5] =	stream.indirect.gather [spmem:s3], $0x80, s29, s31, $0xb8;
	[tilespmem:$0x12340] =	vst v63  }
0x54: {  	s14 =	simm.s32 $0x280  }
0x55: {  	[tilespmem:s19], [sflag:$0x6] =	stream.indirect.gather [spmem:s3], $0x80, s14, s31, $0xb8;
	[tilespmem:$0x12340] =	vst v63  }
0x56: {  	s29 =	simm.s32 $0x300  }
0x57: {  	[tilespmem:s21], [sflag:$0x7] =	stream.indirect.gather [spmem:s3], $0x80, s29, s31, $0xb8;
	[tilespmem:$0x12340] =	vst v63  }
0x58: {  	s14 =	simm.s32 $0x380  }
0x59: {  	[tilespmem:s23], [sflag:$0x8] =	stream.indirect.gather [spmem:s3], $0x80, s14, s31, $0xb8;
	[tilespmem:$0x12340] =	vst v63  }
0x5a: {  	_ =	swait.ge [sflag:s24], $0x2000  }
0x5b: {  	[sflag:s24] =	ssyncset.done $0x0  }
0x5c: {  	[sflag:s24] =	ssyncadd.s32 $0xFFFFE000  }
0x5d: {  	[hbm4b:s13+s4] =	stream.linear.scatter [tilespmem:s2], [sflag:$0x9], $0x2000, $0x38;
	[tilespmem:$0x12340] =	vst v63  }
0x5e: {  	_ =	swait.ge [sflag:s25], $0x2000  }
0x5f: {  	[sflag:s25] =	ssyncset.done $0x0  }
0x60: {  	[sflag:s25] =	ssyncadd.s32 $0xFFFFE000  }
0x61: {  	[hbm4b:s16+s4] =	stream.linear.scatter [tilespmem:s1], [sflag:$0x9], $0x2000, $0x38;
	[tilespmem:$0x12340] =	vst v63  }
0x62: {  	_ =	swait.ge [sflag:s0], $0x2000  }
0x63: {  	[sflag:s0] =	ssyncset.done $0x0  }
0x64: {  	[sflag:s0] =	ssyncadd.s32 $0xFFFFE000  }
0x65: {  	[hbm4b:s17+s4] =	stream.linear.scatter [tilespmem:s6], [sflag:$0x9], $0x2000, $0x38;
	[tilespmem:$0x12340] =	vst v63  }
0x66: {  	_ =	swait.ge [sflag:s5], $0x2000  }
0x67: {  	[sflag:s5] =	ssyncset.done $0x0  }
0x68: {  	[sflag:s5] =	ssyncadd.s32 $0xFFFFE000  }
0x69: {  	[hbm4b:s26+s4] =	stream.linear.scatter [tilespmem:s8], [sflag:$0x9], $0x2000, $0x38;
	[tilespmem:$0x12340] =	vst v63  }
0x6a: {  	_ =	swait.ge [sflag:s7], $0x2000  }
0x6b: {  	[sflag:s7] =	ssyncset.done $0x0  }
0x6c: {  	[sflag:s7] =	ssyncadd.s32 $0xFFFFE000  }
0x6d: {  	[hbm4b:s28+s4] =	stream.linear.scatter [tilespmem:s10], [sflag:$0x9], $0x2000, $0x38;
	[tilespmem:$0x12340] =	vst v63  }
0x6e: {  	_ =	swait.ge [sflag:s9], $0x2000  }
0x6f: {  	[sflag:s9] =	ssyncset.done $0x0  }
0x70: {  	s29 =	rddreg [dreg:$0x13];
	[sflag:s9] =	ssyncadd.s32 $0xFFFFE000  }
0x71: {  	[hbm4b:s29+s4] =	stream.linear.scatter [tilespmem:s19], [sflag:$0x9], $0x2000, $0x38;
	[tilespmem:$0x12340] =	vst v63  }
0x72: {  	_ =	swait.ge [sflag:s11], $0x2000  }
0x73: {  	[sflag:s11] =	ssyncset.done $0x0  }
0x74: {  	s14 =	rddreg [dreg:$0x14];
	[sflag:s11] =	ssyncadd.s32 $0xFFFFE000  }
0x75: {  	[hbm4b:s14+s4] =	stream.linear.scatter [tilespmem:s21], [sflag:$0x9], $0x2000, $0x38;
	[tilespmem:$0x12340] =	vst v63  }
0x76: {  	_ =	swait.ge [sflag:s20], $0x2000  }
0x77: {  	[sflag:s20] =	ssyncset.done $0x0  }
0x78: {  	s29 =	rddreg [dreg:$0x15];
	[sflag:s20] =	ssyncadd.s32 $0xFFFFE000  }
0x79: {  	[hbm4b:s29+s4] =	stream.linear.scatter [tilespmem:s23], [sflag:$0x9], $0x2000, $0x38;
	[tilespmem:$0x12340] =	vst v63  }
0x7a: {  	_ =	swait.ge [sflag:s22], $0x2000  }
0x7b: {  	[sflag:s22] =	ssyncset.done $0x0  }
0x7c: {  	[sflag:s22] =	ssyncadd.s32 $0xFFFFE000  }
0x7d: {  	_ =	swait.ge [sflag:s22], $0x2000  }
0x7e: {  	[sflag:s22] =	ssyncset.done $0x0  }
0x7f: {  	[sflag:s22] =	ssyncadd.s32 $0xFFFFE000  }
0x80: {  	_ =	swait.ge [sflag:s22], $0x2000  }
0x81: {  	[sflag:s22] =	ssyncset.done $0x0  }
0x82: {  	[sflag:s22] =	ssyncadd.s32 $0xFFFFE000  }
0x83: {  	_ =	swait.ge [sflag:s22], $0x2000  }
0x84: {  	[sflag:s22] =	ssyncset.done $0x0  }
0x85: {  	[sflag:s22] =	ssyncadd.s32 $0xFFFFE000  }
0x86: {  	_ =	swait.ge [sflag:s22], $0x2000  }
0x87: {  	[sflag:s22] =	ssyncset.done $0x0  }
0x88: {  	[sflag:s22] =	ssyncadd.s32 $0xFFFFE000  }
0x89: {  	_ =	swait.ge [sflag:s22], $0x2000  }
0x8a: {  	[sflag:s22] =	ssyncset.done $0x0  }
0x8b: {  	s18 =	sadd.s32 $0xFFFFFFFF, s18;
	[sflag:s22] =	ssyncadd.s32 $0xFFFFE000  }
0x8c: {  	p1 =	sne.s32 s18, $0x0;
	_ =	swait.ge [sflag:s22], $0x2000  }
.Ltmp1:
0x8d: {  	[sflag:s22] =	ssyncset.done $0x0;
	(pc) =	sbr.rel @!p1 .LBB2_5-.Ltmp1, $4  }
0x8e: {  	[sflag:s22] =	ssyncadd.s32 $0xFFFFE000  }
0x8f: {  	_ =	swait.ge [sflag:s22], $0x2000  }
0x90: {  	[sflag:s22] =	ssyncset.done $0x0  }
0x91: {  	[sflag:s22] =	ssyncadd.s32 $0xFFFFE000  }
.LBB2_1:
0x92: {  	s12 =	sld [smem:$0x7FD];
	_ =	sdelay $0x2  }
0x93: {  	p1 =	seq.s32 s12, $0x1  }
.Ltmp2:
0x94: {  	_ = 	snop;
	(pc) =	sbr.rel @p1 .LBB2_3-.Ltmp2, $1  }
0x95: {  	_ =	sdelay $0x3  }
0x96: {  	s12 =	sld [smem:$0x7FB];
	_ =	sdelay $0x2  }
0x97: {  	s14 =	rddreg [dreg:$0xa];
	p1 =	seq.s32 s12, $0x1  }
0x98: {  	s29 =	rddreg [dreg:$0xc];
	s12 =	simm.s32 @!p1 $0x1C8A  }
0x99: {  	[spmem:s29], [sflag:s12] =	dma.local @!p1 [hbm:s14], $0x800  }
0x9a: {  	s12 =	simm.s32 @!p1 $0xA  }
0x9b: {  	_ =	swait.ge @!p1 [sflag:s12], $0x800  }
0x9c: {  	s29 =	sld [smem:$0x7FC];
	_ =	sdelay $0x1  }
0x9d: {  	[sflag:s12] =	ssyncset.done @!p1 $0x0  }
0x9e: {  	s14 =	rddreg [dreg:$0x9];
	[sflag:s12] =	ssyncadd.s32 @!p1 $0xFFFFF800;
	p1 =	seq.s32 s29, $0x1  }
0x9f: {  	s29 =	rddreg [dreg:$0xd];
	s12 =	simm.s32 @!p1 $0x1CCA  }
0xa0: {  	[spmem:s29], [sflag:s12] =	dma.local @!p1 [hbm:s14], $0x800  }
0xa1: {  	s12 =	simm.s32 @!p1 $0xA  }
0xa2: {  	s14 =	simm.s32 @!p2 $0x1C0A;
	_ =	swait.ge @!p1 [sflag:s12], $0x800  }
0xa3: {  	s29 =	smov.u32 s28;
	s28 =	smov.u32 s26;
	[sflag:s12] =	ssyncset.done @!p1 $0x0  }
0xa4: {  	s26 =	smov.u32 s17;
	s17 =	smov.u32 s16;
	[sflag:s12] =	ssyncadd.s32 @!p1 $0xFFFFF800  }
0xa5: {  	s16 =	smov.u32 s15;
	s12 =	sshrl.u32 @!p2 s3, $0x3;
	s15 =	rddreg [dreg:$0x0]  }
0xa6: {  	[spmem:s12], [sflag:s14] =	dma.local @!p2 [hbm:s15], $0x800  }
0xa7: {  	s15 =	smov.u32 s16;
	s16 =	smov.u32 s17;
	s12 =	simm.s32 @!p2 $0xA  }
0xa8: {  	s17 =	smov.u32 s26;
	s26 =	smov.u32 s28;
	_ =	swait.ge @!p2 [sflag:s12], $0x800  }
0xa9: {  	s28 =	smov.u32 s29;
	[sflag:s12] =	ssyncset.done @!p2 $0x0;
	s14 =	rddreg [dreg:$0xb]  }
0xaa: {  	s29 =	rddreg [dreg:$0xe];
	[sflag:s12] =	ssyncadd.s32 @!p2 $0xFFFFF800;
	s12 =	simm.s32 @!p3 $0x1C4A  }
0xab: {  	[spmem:s29], [sflag:s12] =	dma.local @!p3 [hbm:s14], $0x800  }
.Ltmp3:
0xac: {  	_ = 	snop;
	(pc) =	sbr.rel .LBB2_4-.Ltmp3, $4  }
0xad: {  	s12 =	simm.s32 @!p3 $0xA  }
0xae: {  	_ =	swait.ge @!p3 [sflag:s12], $0x800  }
0xaf: {  	[sflag:s12] =	ssyncset.done @!p3 $0x0  }
0xb0: {  	[sflag:s12] =	ssyncadd.s32 @!p3 $0xFFFFF800  }
.LBB2_5:
0xb1: {  	_ =	sfence.sel $0x180000  }
0xb2: {  	[bflag:$0x0] =	sbarrier.arrive $0xFFFF  }
0xb3: {  	_ =	strace $0x90000047  }
0xb4: {  	s0 =	stileid.u32;
	[bflag:$0x2] =	sbarrier.arrive $0xFFFF  }
0xb5: {  	p0 =	sne.s32 s0, $0x0;
	s0 =	rddreg [dreg:$0x4]  }
0xb6: {  	s0 =	sadd.s32 @!p0 $0x100000, s0  }
0xb7: {  	[sflag:s0] =	ssyncadd.tile.s32 @!p0 $0x1;
	_ =	shalt  }
.Lfunc_end2:
_tile_overlayer_lowered:
.L_overlay_start_2:
0xb8: {  	(tag) =	ssettag $0x2  }
0xb9: {  	s0 =	rddreg [dreg:$0x0];
	s2 =	stileid.u32  }
0xba: {  	s1 =	rddreg [dreg:$0x1];
	p0 =	sne.s32 s2, $0x0  }
0xbb: {  	s3 =	rddreg [dreg:$0x2];
	[bflag:$0x3] =	sbarrier.arrive $0xFFFF;
	s2 =	simm.s32 @!p0 $0x1C0A  }
0xbc: {  	[timem:s3], [sflag:s2] =	dma.local @!p0 [hbm:s0], s1  }
0xbd: {  	s0 =	simm.s32 @!p0 $0xA  }
0xbe: {  	_ =	swait.ge @!p0 [sflag:s0], s1  }
0xbf: {  	s1 =	ssub.s32 @!p0 $0x0, s1;
	[sflag:s0] =	ssyncset.done @!p0 $0x0  }
0xc0: {  	[sflag:s0] =	ssyncadd.s32 @!p0 s1  }
0xc1: {  	[bflag:$0x3] =	sbarrier.arrive $0xFFFF  }
0xc2: {  	_ =	shalt  }

</sc_bundles>
